<compile_context>
chip_gen: v7x
topology: tpu7x:2x2x1
jax: 0.10.2.dev20260603
libtpu: 0.0.44.dev20260713+nightly
codegen_flags: <defaults>
</compile_context>

<pallas_src>
import jax
import jax.numpy as jnp
from jax import lax
from jax.experimental import pallas as pl
from jax.experimental.pallas import tpu as pltpu
from jax.experimental.pallas import tpu_sc as plsc

N_NODES = 10000
N_EDGES = 320000
D = 128

NC = 2
NS = 16
NW = NC * NS
BATCH = 125
NB = 80
CH = 40
NCH = NB // CH
ACC_ROWS = 10112
ZPT = ACC_ROWS // NS
NBUF = 2


def _sc_agg_body(y, srcm, dstm, zeros, out, srcc, dstv,
                 r0, r1, acc, g0, g1):
    rows = (r0, r1)
    gsem = (g0, g1)
    c = lax.axis_index("c")
    s = lax.axis_index("s")
    wid = c * NS + s
    base = wid * NB
    cp_d = pltpu.async_copy(dstm.at[pl.ds(base, NB)], dstv, g0)
    cp_z = pltpu.async_copy(zeros, acc.at[pl.ds(s * ZPT, ZPT)], g1)
    cp_d.wait()
    cp_z.wait()
    plsc.subcore_barrier()

    def chunk(k, carry):
        kb = pl.multiple_of(k * CH, CH)
        pltpu.sync_copy(srcm.at[pl.ds(base + kb, CH)], srcc)
        pltpu.async_copy(y.at[srcc.at[0]], rows[0], gsem[0])

        def body(i, carry2):
            b = i * NBUF
            for j in range(NBUF):
                jl = b + j

                @pl.when(jl + 1 < CH)
                def _ahead(jl=jl, j=j):
                    pltpu.async_copy(y.at[srcc.at[jl + 1]],
                                     rows[1 - j], gsem[1 - j])

                pltpu.make_async_copy(y.at[srcc.at[jl]], rows[j],
                                      gsem[j]).wait()
                pltpu.sync_copy(rows[j], acc.at[dstv.at[kb + jl]], add=True)
            return carry2

        lax.fori_loop(0, CH // NBUF, body, 0)
        return carry

    lax.fori_loop(0, NCH, chunk, 0)
    plsc.subcore_barrier()
    pltpu.sync_copy(acc.at[pl.ds(s * ZPT, ZPT)],
                    out.at[c, pl.ds(s * ZPT, ZPT)])


_sc_agg = pl.kernel(
    _sc_agg_body,
    out_type=jax.ShapeDtypeStruct((NC, ACC_ROWS, D), jnp.float32),
    mesh=plsc.VectorSubcoreMesh(core_axis_name="c", subcore_axis_name="s"),
    scratch_types=(
        [pltpu.VMEM((CH, BATCH), jnp.int32),
         pltpu.VMEM((NB, BATCH), jnp.int32)]
        + [pltpu.VMEM((BATCH, D), jnp.float32) for _ in range(NBUF)]
        + [pltpu.VMEM_SHARED((ACC_ROWS, D), jnp.float32)]
        + [pltpu.SemaphoreType.DMA for _ in range(NBUF)]
    ),
)


def _mm_body(x_ref, w_ref, o_ref):
    o_ref[...] = jnp.dot(x_ref[...], w_ref[...],
                         preferred_element_type=jnp.float32)


_mm1 = pl.pallas_call(
    _mm_body,
    grid=(2,),
    in_specs=[pl.BlockSpec((5000, D), lambda i: (i, 0)),
              pl.BlockSpec((D, D), lambda i: (0, 0))],
    out_specs=pl.BlockSpec((5000, D), lambda i: (i, 0)),
    out_shape=jax.ShapeDtypeStruct((N_NODES, D), jnp.float32),
)


def _fuse_body(p_ref, b_ref, w_ref, o_ref):
    h = jnp.maximum(p_ref[0] + p_ref[1] + b_ref[...], 0.0)
    o_ref[...] = jnp.dot(h, w_ref[...], preferred_element_type=jnp.float32)


_fuse2 = pl.pallas_call(
    _fuse_body,
    grid=(2,),
    in_specs=[pl.BlockSpec((NC, 5000, D), lambda i: (0, i, 0)),
              pl.BlockSpec((1, D), lambda i: (0, 0)),
              pl.BlockSpec((D, D), lambda i: (0, 0))],
    out_specs=pl.BlockSpec((5000, D), lambda i: (i, 0)),
    out_shape=jax.ShapeDtypeStruct((N_NODES, D), jnp.float32),
)


def _head_body(p_ref, b2_ref, desc_ref, l1wa_ref, l1wb_ref, l1b_ref,
               l2w_ref, l2b_ref, cw_ref, cb_ref, o_ref, acc_ref):
    g = pl.program_id(0)

    @pl.when(g == 0)
    def _init():
        acc_ref[...] = jnp.zeros_like(acc_ref)

    h = jnp.maximum(p_ref[0] + p_ref[1] + b2_ref[...], 0.0)
    acc_ref[...] += jnp.sum(h, axis=0, keepdims=True)

    @pl.when(g == pl.num_programs(0) - 1)
    def _finish():
        hg = acc_ref[...] * (1.0 / N_NODES)
        t = (jnp.dot(hg, l1wa_ref[...], preferred_element_type=jnp.float32)
             + jnp.dot(desc_ref[...], l1wb_ref[...],
                       preferred_element_type=jnp.float32)
             + l1b_ref[...])
        t = jnp.maximum(t, 0.0)
        t = jnp.maximum(
            jnp.dot(t, l2w_ref[...], preferred_element_type=jnp.float32)
            + l2b_ref[...], 0.0)
        o_ref[...] = (jnp.dot(t, cw_ref[...],
                              preferred_element_type=jnp.float32)
                      + cb_ref[...])


_head = pl.pallas_call(
    _head_body,
    grid=(5,),
    in_specs=[pl.BlockSpec((NC, 2000, D), lambda i: (0, i, 0)),
              pl.BlockSpec((1, D), lambda i: (0, 0)),
              pl.BlockSpec((1, 16), lambda i: (0, 0)),
              pl.BlockSpec((D, 500), lambda i: (0, 0)),
              pl.BlockSpec((16, 500), lambda i: (0, 0)),
              pl.BlockSpec((1, 500), lambda i: (0, 0)),
              pl.BlockSpec((500, 100), lambda i: (0, 0)),
              pl.BlockSpec((1, 100), lambda i: (0, 0)),
              pl.BlockSpec((100, 10), lambda i: (0, 0)),
              pl.BlockSpec((1, 10), lambda i: (0, 0))],
    out_specs=pl.BlockSpec((1, 10), lambda i: (0, 0)),
    out_shape=jax.ShapeDtypeStruct((1, 10), jnp.float32),
    scratch_shapes=[pltpu.VMEM((1, D), jnp.float32)],
)


def kernel(features, edge_index, descriptors,
           W1, b1, W2, b2, L1w, L1b, L2w, L2b, Cw, Cb):
    ei = edge_index.astype(jnp.int32)
    srcm = ei[0].reshape(NW * NB, BATCH)
    dstm = ei[1].reshape(NW * NB, BATCH)
    zeros = jnp.zeros((ZPT, D), jnp.float32)

    y1 = _mm1(features, W1)
    p1 = _sc_agg(y1, srcm, dstm, zeros)
    y2 = _fuse2(p1, b1.reshape(1, D), W2)
    p2 = _sc_agg(y2, srcm, dstm, zeros)
    return _head(p2, b2.reshape(1, D), descriptors,
                 L1w[:D], L1w[D:], L1b.reshape(1, 500),
                 L2w, L2b.reshape(1, 100), Cw, Cb.reshape(1, 10))

# --- scband reference (transcript-rebuilt; emitter-appended) ---
"""Pipeline reference for scband-classifier-50208167690314 (READ-ONLY COPY).

The authoritative reference and input builder live on the scoring server;
editing this copy changes nothing except your own understanding.
"""

import jax, jax.numpy as jnp
import numpy as np

N_NODES = 10000
N_EDGES = 320000
IN_DIM = 128
HIDDEN = [128, 128]
N_DESC = 16
N_CLASSES = 10


def setup_inputs(seed: int = 0) -> dict:
    key = jax.random.key(seed)
    ks = jax.random.split(key, 16)
    features = jax.random.normal(ks[0], (N_NODES, IN_DIM), dtype=jnp.float32)
    edge_index = jax.random.randint(ks[1], (2, N_EDGES), 0, N_NODES, dtype=jnp.int64)
    descriptors = jax.random.normal(ks[2], (1, N_DESC), dtype=jnp.float32)
    # GCN layer params (uniform per reset_parameters: stdv = 1/sqrt(out_feats))
    stdv1 = 1.0 / np.sqrt(HIDDEN[0])
    W1 = jax.random.uniform(ks[3], (IN_DIM, HIDDEN[0]), minval=-stdv1, maxval=stdv1, dtype=jnp.float32)
    b1 = jax.random.uniform(ks[4], (HIDDEN[0],), minval=-stdv1, maxval=stdv1, dtype=jnp.float32)
    stdv2 = 1.0 / np.sqrt(HIDDEN[1])
    W2 = jax.random.uniform(ks[5], (HIDDEN[0], HIDDEN[1]), minval=-stdv2, maxval=stdv2, dtype=jnp.float32)
    b2 = jax.random.uniform(ks[6], (HIDDEN[1],), minval=-stdv2, maxval=stdv2, dtype=jnp.float32)
    # MLP head params (torch Linear default init)
    def lin_init(kw, kb, fan_in, fan_out):
        bound = 1.0 / np.sqrt(fan_in)
        W = jax.random.uniform(kw, (fan_in, fan_out), minval=-bound, maxval=bound, dtype=jnp.float32)
        b = jax.random.uniform(kb, (fan_out,), minval=-bound, maxval=bound, dtype=jnp.float32)
        return W, b
    L1w, L1b = lin_init(ks[7], ks[8], HIDDEN[1] + N_DESC, 500)
    L2w, L2b = lin_init(ks[9], ks[10], 500, 100)
    Cw, Cb = lin_init(ks[11], ks[12], 100, N_CLASSES)
    return {"features": features, "edge_index": edge_index, "descriptors": descriptors,
            "W1": W1, "b1": b1, "W2": W2, "b2": b2,
            "L1w": L1w, "L1b": L1b, "L2w": L2w, "L2b": L2b, "Cw": Cw, "Cb": Cb}


def _gcn_layer(h, src, dst, W, b):
    # dropout is identity in eval mode
    h = h @ W
    # copy_src + sum: aggregate source messages at destination nodes
    agg = jax.ops.segment_sum(h[src], dst, num_segments=N_NODES)
    agg = agg + b
    return jax.nn.relu(agg)


def reference(features, edge_index, descriptors, W1, b1, W2, b2, L1w, L1b, L2w, L2b, Cw, Cb):
    src = edge_index[0]
    dst = edge_index[1]
    h = _gcn_layer(features, src, dst, W1, b1)
    h = _gcn_layer(h, src, dst, W2, b2)
    # dgl.mean_nodes over a single graph -> [1, hidden]
    hg = jnp.mean(h, axis=0, keepdims=True)
    hc = jnp.concatenate([hg, descriptors], axis=1)
    hc = jax.nn.relu(hc @ L1w + L1b)
    hc = jax.nn.relu(hc @ L2w + L2b)
    return hc @ Cw + Cb

if __name__ == "__main__":
    import jax
    _d = setup_inputs()
    print(jax.jit(kernel)(*tuple(_d.values())))

</pallas_src>

<mosaic_0001>
#map = affine_map<(d0, d1) -> (0, 0)>
#map1 = affine_map<(d0, d1) -> (0, 0, 0)>
module attributes {stable_mosaic.version = 14 : i64} {
  func.func @_sc_agg_body(%arg0: i32, %arg1: i32, %arg2: memref<10000x128xf32, #tpu.memory_space<hbm>>, %arg3: memref<2560x125xi32, #tpu.memory_space<hbm>>, %arg4: memref<2560x125xi32, #tpu.memory_space<hbm>>, %arg5: memref<632x128xf32, #tpu.memory_space<hbm>>, %arg6: memref<2x10112x128xf32, #tpu.memory_space<hbm>>, %arg7: memref<40x125xi32, #tpu.memory_space<vmem>>, %arg8: memref<80x125xi32, #tpu.memory_space<vmem>>, %arg9: memref<125x128xf32, #tpu.memory_space<vmem>>, %arg10: memref<125x128xf32, #tpu.memory_space<vmem>>, %arg11: memref<10112x128xf32, #tpu.memory_space<vmem_shared>>, %arg12: memref<!tpu.dma_semaphore, #tpu.memory_space<semaphore_mem>>, %arg13: memref<!tpu.dma_semaphore, #tpu.memory_space<semaphore_mem>>) attributes {dimension_semantics = [#tpu.dimension_semantics<core_parallel>, #tpu.dimension_semantics<subcore_parallel>], iteration_bounds = array<i64: 2, 16>, scalar_prefetch = 0 : i64, scratch_operands = 7 : i64, tpu.core_type = #tpu.core_type<sc_vector_subcore>, window_params = [{transform_indices = #map}, {transform_indices = #map}, {transform_indices = #map}, {transform_indices = #map}, {transform_indices = #map1}]} {
    %mul3A = arith.constant 16 : i32
    %mul3A_0 = arith.muli %arg0, %mul3A : i32
    %add3A = arith.addi %mul3A_0, %arg1 : i32
    %mul3A_1 = arith.constant 80 : i32
    %mul3A_2 = arith.muli %add3A, %mul3A_1 : i32
    %dma_start3A = arith.constant 0 : i32
    %dma_start3A_3 = tpu.memref_slice %arg4[%mul3A_2, %dma_start3A] : memref<2560x125xi32, #tpu.memory_space<hbm>> -> memref<80x125xi32, #tpu.memory_space<hbm>>
    %dma_start3A_4 = arith.constant 0 : i32
    %dma_start3A_5 = tpu.memref_slice %arg4[%mul3A_2, %dma_start3A_4] : memref<2560x125xi32, #tpu.memory_space<hbm>> -> memref<80x125xi32, #tpu.memory_space<hbm>>
    tpu.enqueue_dma source(%dma_start3A_5 : memref<80x125xi32, #tpu.memory_space<hbm>>) target(%arg8 : memref<80x125xi32, #tpu.memory_space<vmem>>) target_semaphore(%arg12 : memref<!tpu.dma_semaphore, #tpu.memory_space<semaphore_mem>>)
    %mul3A_6 = arith.constant 632 : i32
    %mul3A_7 = arith.muli %arg1, %mul3A_6 : i32
    %dma_start3A_8 = arith.constant 0 : i32
    %dma_start3A_9 = tpu.memref_slice %arg11[%mul3A_7, %dma_start3A_8] : memref<10112x128xf32, #tpu.memory_space<vmem_shared>> -> memref<632x128xf32, #tpu.memory_space<vmem_shared>>
    tpu.enqueue_dma source(%arg5 : memref<632x128xf32, #tpu.memory_space<hbm>>) target(%dma_start3A_9 : memref<632x128xf32, #tpu.memory_space<vmem_shared>>) target_semaphore(%arg13 : memref<!tpu.dma_semaphore, #tpu.memory_space<semaphore_mem>>)
    %dma_wait3A = arith.constant 0 : i32
    %dma_wait3A_10 = tpu.memref_slice %arg4[%mul3A_2, %dma_wait3A] : memref<2560x125xi32, #tpu.memory_space<hbm>> -> memref<80x125xi32, #tpu.memory_space<hbm>>
    %dma_wait3A_11 = arith.constant 0 : i32
    %dma_wait3A_12 = tpu.memref_slice %arg4[%mul3A_2, %dma_wait3A_11] : memref<2560x125xi32, #tpu.memory_space<hbm>> -> memref<80x125xi32, #tpu.memory_space<hbm>>
    tpu.wait_dma2 semaphore(%arg12 : memref<!tpu.dma_semaphore, #tpu.memory_space<semaphore_mem>>) src(%dma_wait3A_12 : memref<80x125xi32, #tpu.memory_space<hbm>>) dst(%arg8 : memref<80x125xi32, #tpu.memory_space<vmem>>)
    %dma_wait3A_13 = arith.constant 0 : i32
    %dma_wait3A_14 = tpu.memref_slice %arg11[%mul3A_7, %dma_wait3A_13] : memref<10112x128xf32, #tpu.memory_space<vmem_shared>> -> memref<632x128xf32, #tpu.memory_space<vmem_shared>>
    tpu.wait_dma2 semaphore(%arg13 : memref<!tpu.dma_semaphore, #tpu.memory_space<semaphore_mem>>) src(%arg5 : memref<632x128xf32, #tpu.memory_space<hbm>>) dst(%dma_wait3A_14 : memref<632x128xf32, #tpu.memory_space<vmem_shared>>)
    %barrier3A = arith.constant 0 : index
    tpu.barrier barrier_id(%barrier3A)
    %scan3A = arith.constant 0 : i32
    %scan3A_15 = arith.constant 0 : i32
    %scan3A_16 = arith.constant 2 : i32
    %scan3A_17 = arith.addi %scan3A_15, %scan3A_16 : i32
    %scan3A_18 = arith.constant 1 : i32
    scf.for %scan3A_25 = %scan3A_15 to %scan3A_17 step %scan3A_18  : i32 {
      %mul3A_26 = arith.constant 40 : i32
      %mul3A_27 = arith.muli %scan3A_25, %mul3A_26 : i32
      %multiple_of3A = tpu.assume_multiple %mul3A_27, 40 : i32
      %add3A_28 = arith.addi %mul3A_2, %multiple_of3A : i32
      "tpu.region"() ({
        %run_scoped3A = tpu.sem_alloc : memref<!tpu.dma_semaphore, #tpu.memory_space<semaphore_mem>>
        %dma_start3A_42 = arith.constant 0 : i32
        %dma_start3A_43 = tpu.memref_slice %arg3[%add3A_28, %dma_start3A_42] : memref<2560x125xi32, #tpu.memory_space<hbm>> -> memref<40x125xi32, #tpu.memory_space<hbm>>
        %dma_start3A_44 = arith.constant 0 : i32
        %dma_start3A_45 = tpu.memref_slice %arg3[%add3A_28, %dma_start3A_44] : memref<2560x125xi32, #tpu.memory_space<hbm>> -> memref<40x125xi32, #tpu.memory_space<hbm>>
        tpu.enqueue_dma source(%dma_start3A_45 : memref<40x125xi32, #tpu.memory_space<hbm>>) target(%arg7 : memref<40x125xi32, #tpu.memory_space<vmem>>) target_semaphore(%run_scoped3A : memref<!tpu.dma_semaphore, #tpu.memory_space<semaphore_mem>>)
        %dma_wait3A_46 = arith.constant 0 : i32
        %dma_wait3A_47 = tpu.memref_slice %arg3[%add3A_28, %dma_wait3A_46] : memref<2560x125xi32, #tpu.memory_space<hbm>> -> memref<40x125xi32, #tpu.memory_space<hbm>>
        %dma_wait3A_48 = arith.constant 0 : i32
        %dma_wait3A_49 = tpu.memref_slice %arg3[%add3A_28, %dma_wait3A_48] : memref<2560x125xi32, #tpu.memory_space<hbm>> -> memref<40x125xi32, #tpu.memory_space<hbm>>
        tpu.wait_dma2 semaphore(%run_scoped3A : memref<!tpu.dma_semaphore, #tpu.memory_space<semaphore_mem>>) src(%dma_wait3A_49 : memref<40x125xi32, #tpu.memory_space<hbm>>) dst(%arg7 : memref<40x125xi32, #tpu.memory_space<vmem>>)
        tpu.yield
      }) : () -> ()
      %dma_start3A_29 = arith.constant 0 : i32
      %dma_start3A_30 = arith.constant 0 : i32
      %dma_start3A_31 = tpu.memref_slice %arg7[%dma_start3A_29, %dma_start3A_30] : memref<40x125xi32, #tpu.memory_space<vmem>> -> memref<1x125xi32, #tpu.memory_space<vmem>>
      %dma_start3A_32 = tpu.memref_squeeze %dma_start3A_31 : memref<1x125xi32, #tpu.memory_space<vmem>> -> memref<125xi32, #tpu.memory_space<vmem>>
      %dma_start3A_33 = arith.constant 0 : i32
      %dma_start3A_34 = arith.constant 0 : i32
      %dma_start3A_35 = tpu.memref_slice %arg2[%dma_start3A_33, %dma_start3A_34] : memref<10000x128xf32, #tpu.memory_space<hbm>> -> memref<10000x128xf32, #tpu.memory_space<hbm>>
      tpu.enqueue_indirect_dma source(%dma_start3A_35 : memref<10000x128xf32, #tpu.memory_space<hbm>>) target(%arg9 : memref<125x128xf32, #tpu.memory_space<vmem>>) offsets(%dma_start3A_32 : memref<125xi32, #tpu.memory_space<vmem>>) semaphore(%arg12 : memref<!tpu.dma_semaphore, #tpu.memory_space<semaphore_mem>>)
      %scan3A_36 = arith.constant 0 : i32
      %scan3A_37 = arith.constant 0 : i32
      %scan3A_38 = arith.constant 20 : i32
      %scan3A_39 = arith.addi %scan3A_37, %scan3A_38 : i32
      %scan3A_40 = arith.constant 1 : i32
      scf.for %scan3A_42 = %scan3A_37 to %scan3A_39 step %scan3A_40  : i32 {
        %mul3A_43 = arith.constant 2 : i32
        %mul3A_44 = arith.muli %scan3A_42, %mul3A_43 : i32
        %add3A_45 = arith.constant 0 : i32
        %add3A_46 = arith.addi %mul3A_44, %add3A_45 : i32
        %add3A_47 = arith.constant 1 : i32
        %add3A_48 = arith.addi %add3A_46, %add3A_47 : i32
        %lt3A = arith.constant 40 : i32
        %lt3A_49 = arith.cmpi slt, %add3A_48, %lt3A : i32
        %convert_element_type3A = arith.extui %lt3A_49 : i1 to i32
        %cond3A = arith.constant 0 : i32
        %cond3A_50 = arith.cmpi ne, %convert_element_type3A, %cond3A : i32
        scf.if %cond3A_50 {
          %add3A_74 = arith.constant 1 : i32
          %add3A_75 = arith.addi %add3A_46, %add3A_74 : i32
          %dma_start3A_76 = arith.constant 0 : i32
          %dma_start3A_77 = tpu.memref_slice %arg7[%add3A_75, %dma_start3A_76] : memref<40x125xi32, #tpu.memory_space<vmem>> -> memref<1x125xi32, #tpu.memory_space<vmem>>
          %dma_start3A_78 = tpu.memref_squeeze %dma_start3A_77 : memref<1x125xi32, #tpu.memory_space<vmem>> -> memref<125xi32, #tpu.memory_space<vmem>>
          %dma_start3A_79 = arith.constant 0 : i32
          %dma_start3A_80 = arith.constant 0 : i32
          %dma_start3A_81 = tpu.memref_slice %arg2[%dma_start3A_79, %dma_start3A_80] : memref<10000x128xf32, #tpu.memory_space<hbm>> -> memref<10000x128xf32, #tpu.memory_space<hbm>>
          tpu.enqueue_indirect_dma source(%dma_start3A_81 : memref<10000x128xf32, #tpu.memory_space<hbm>>) target(%arg10 : memref<125x128xf32, #tpu.memory_space<vmem>>) offsets(%dma_start3A_78 : memref<125xi32, #tpu.memory_space<vmem>>) semaphore(%arg13 : memref<!tpu.dma_semaphore, #tpu.memory_space<semaphore_mem>>)
        } else {
        }
        %dma_wait3A_51 = arith.constant 0 : i32
        %dma_wait3A_52 = tpu.memref_slice %arg7[%add3A_46, %dma_wait3A_51] : memref<40x125xi32, #tpu.memory_space<vmem>> -> memref<1x125xi32, #tpu.memory_space<vmem>>
        %dma_wait3A_53 = tpu.memref_squeeze %dma_wait3A_52 : memref<1x125xi32, #tpu.memory_space<vmem>> -> memref<125xi32, #tpu.memory_space<vmem>>
        %dma_wait3A_54 = arith.constant 0 : i32
        %dma_wait3A_55 = arith.constant 0 : i32
        %dma_wait3A_56 = tpu.memref_slice %arg2[%dma_wait3A_54, %dma_wait3A_55] : memref<10000x128xf32, #tpu.memory_space<hbm>> -> memref<10000x128xf32, #tpu.memory_space<hbm>>
        tpu.wait_indirect_dma semaphore(%arg12 : memref<!tpu.dma_semaphore, #tpu.memory_space<semaphore_mem>>) src(%dma_wait3A_56 : memref<10000x128xf32, #tpu.memory_space<hbm>>) dst(%arg9 : memref<125x128xf32, #tpu.memory_space<vmem>>)
        %add3A_57 = arith.addi %multiple_of3A, %add3A_46 : i32
        "tpu.region"() ({
          %run_scoped3A = tpu.sem_alloc : memref<!tpu.dma_semaphore, #tpu.memory_space<semaphore_mem>>
          %dma_start3A_74 = arith.constant 0 : i32
          %dma_start3A_75 = tpu.memref_slice %arg8[%add3A_57, %dma_start3A_74] : memref<80x125xi32, #tpu.memory_space<vmem>> -> memref<1x125xi32, #tpu.memory_space<vmem>>
          %dma_start3A_76 = tpu.memref_squeeze %dma_start3A_75 : memref<1x125xi32, #tpu.memory_space<vmem>> -> memref<125xi32, #tpu.memory_space<vmem>>
          %dma_start3A_77 = arith.constant 0 : i32
          %dma_start3A_78 = arith.constant 0 : i32
          %dma_start3A_79 = tpu.memref_slice %arg11[%dma_start3A_77, %dma_start3A_78] : memref<10112x128xf32, #tpu.memory_space<vmem_shared>> -> memref<10112x128xf32, #tpu.memory_space<vmem_shared>>
          tpu.enqueue_indirect_dma source(%arg9 : memref<125x128xf32, #tpu.memory_space<vmem>>) target(%dma_start3A_79 : memref<10112x128xf32, #tpu.memory_space<vmem_shared>>) offsets(%dma_start3A_76 : memref<125xi32, #tpu.memory_space<vmem>>) semaphore(%run_scoped3A : memref<!tpu.dma_semaphore, #tpu.memory_space<semaphore_mem>>) {add = true}
          %dma_wait3A_80 = arith.constant 0 : i32
          %dma_wait3A_81 = tpu.memref_slice %arg8[%add3A_57, %dma_wait3A_80] : memref<80x125xi32, #tpu.memory_space<vmem>> -> memref<1x125xi32, #tpu.memory_space<vmem>>
          %dma_wait3A_82 = tpu.memref_squeeze %dma_wait3A_81 : memref<1x125xi32, #tpu.memory_space<vmem>> -> memref<125xi32, #tpu.memory_space<vmem>>
          %dma_wait3A_83 = arith.constant 0 : i32
          %dma_wait3A_84 = arith.constant 0 : i32
          %dma_wait3A_85 = tpu.memref_slice %arg11[%dma_wait3A_83, %dma_wait3A_84] : memref<10112x128xf32, #tpu.memory_space<vmem_shared>> -> memref<10112x128xf32, #tpu.memory_space<vmem_shared>>
          tpu.wait_indirect_dma semaphore(%run_scoped3A : memref<!tpu.dma_semaphore, #tpu.memory_space<semaphore_mem>>) src(%arg9 : memref<125x128xf32, #tpu.memory_space<vmem>>) dst(%dma_wait3A_85 : memref<10112x128xf32, #tpu.memory_space<vmem_shared>>)
          tpu.yield
        }) : () -> ()
        %add3A_58 = arith.constant 1 : i32
        %add3A_59 = arith.addi %mul3A_44, %add3A_58 : i32
        %add3A_60 = arith.constant 1 : i32
        %add3A_61 = arith.addi %add3A_59, %add3A_60 : i32
        %lt3A_62 = arith.constant 40 : i32
        %lt3A_63 = arith.cmpi slt, %add3A_61, %lt3A_62 : i32
        %convert_element_type3A_64 = arith.extui %lt3A_63 : i1 to i32
        %cond3A_65 = arith.constant 0 : i32
        %cond3A_66 = arith.cmpi ne, %convert_element_type3A_64, %cond3A_65 : i32
        scf.if %cond3A_66 {
          %add3A_74 = arith.constant 1 : i32
          %add3A_75 = arith.addi %add3A_59, %add3A_74 : i32
          %dma_start3A_76 = arith.constant 0 : i32
          %dma_start3A_77 = tpu.memref_slice %arg7[%add3A_75, %dma_start3A_76] : memref<40x125xi32, #tpu.memory_space<vmem>> -> memref<1x125xi32, #tpu.memory_space<vmem>>
          %dma_start3A_78 = tpu.memref_squeeze %dma_start3A_77 : memref<1x125xi32, #tpu.memory_space<vmem>> -> memref<125xi32, #tpu.memory_space<vmem>>
          %dma_start3A_79 = arith.constant 0 : i32
          %dma_start3A_80 = arith.constant 0 : i32
          %dma_start3A_81 = tpu.memref_slice %arg2[%dma_start3A_79, %dma_start3A_80] : memref<10000x128xf32, #tpu.memory_space<hbm>> -> memref<10000x128xf32, #tpu.memory_space<hbm>>
          tpu.enqueue_indirect_dma source(%dma_start3A_81 : memref<10000x128xf32, #tpu.memory_space<hbm>>) target(%arg9 : memref<125x128xf32, #tpu.memory_space<vmem>>) offsets(%dma_start3A_78 : memref<125xi32, #tpu.memory_space<vmem>>) semaphore(%arg12 : memref<!tpu.dma_semaphore, #tpu.memory_space<semaphore_mem>>)
        } else {
        }
        %dma_wait3A_67 = arith.constant 0 : i32
        %dma_wait3A_68 = tpu.memref_slice %arg7[%add3A_59, %dma_wait3A_67] : memref<40x125xi32, #tpu.memory_space<vmem>> -> memref<1x125xi32, #tpu.memory_space<vmem>>
        %dma_wait3A_69 = tpu.memref_squeeze %dma_wait3A_68 : memref<1x125xi32, #tpu.memory_space<vmem>> -> memref<125xi32, #tpu.memory_space<vmem>>
        %dma_wait3A_70 = arith.constant 0 : i32
        %dma_wait3A_71 = arith.constant 0 : i32
        %dma_wait3A_72 = tpu.memref_slice %arg2[%dma_wait3A_70, %dma_wait3A_71] : memref<10000x128xf32, #tpu.memory_space<hbm>> -> memref<10000x128xf32, #tpu.memory_space<hbm>>
        tpu.wait_indirect_dma semaphore(%arg13 : memref<!tpu.dma_semaphore, #tpu.memory_space<semaphore_mem>>) src(%dma_wait3A_72 : memref<10000x128xf32, #tpu.memory_space<hbm>>) dst(%arg10 : memref<125x128xf32, #tpu.memory_space<vmem>>)
        %add3A_73 = arith.addi %multiple_of3A, %add3A_59 : i32
        "tpu.region"() ({
          %run_scoped3A = tpu.sem_alloc : memref<!tpu.dma_semaphore, #tpu.memory_space<semaphore_mem>>
          %dma_start3A_74 = arith.constant 0 : i32
          %dma_start3A_75 = tpu.memref_slice %arg8[%add3A_73, %dma_start3A_74] : memref<80x125xi32, #tpu.memory_space<vmem>> -> memref<1x125xi32, #tpu.memory_space<vmem>>
          %dma_start3A_76 = tpu.memref_squeeze %dma_start3A_75 : memref<1x125xi32, #tpu.memory_space<vmem>> -> memref<125xi32, #tpu.memory_space<vmem>>
          %dma_start3A_77 = arith.constant 0 : i32
          %dma_start3A_78 = arith.constant 0 : i32
          %dma_start3A_79 = tpu.memref_slice %arg11[%dma_start3A_77, %dma_start3A_78] : memref<10112x128xf32, #tpu.memory_space<vmem_shared>> -> memref<10112x128xf32, #tpu.memory_space<vmem_shared>>
          tpu.enqueue_indirect_dma source(%arg10 : memref<125x128xf32, #tpu.memory_space<vmem>>) target(%dma_start3A_79 : memref<10112x128xf32, #tpu.memory_space<vmem_shared>>) offsets(%dma_start3A_76 : memref<125xi32, #tpu.memory_space<vmem>>) semaphore(%run_scoped3A : memref<!tpu.dma_semaphore, #tpu.memory_space<semaphore_mem>>) {add = true}
          %dma_wait3A_80 = arith.constant 0 : i32
          %dma_wait3A_81 = tpu.memref_slice %arg8[%add3A_73, %dma_wait3A_80] : memref<80x125xi32, #tpu.memory_space<vmem>> -> memref<1x125xi32, #tpu.memory_space<vmem>>
          %dma_wait3A_82 = tpu.memref_squeeze %dma_wait3A_81 : memref<1x125xi32, #tpu.memory_space<vmem>> -> memref<125xi32, #tpu.memory_space<vmem>>
          %dma_wait3A_83 = arith.constant 0 : i32
          %dma_wait3A_84 = arith.constant 0 : i32
          %dma_wait3A_85 = tpu.memref_slice %arg11[%dma_wait3A_83, %dma_wait3A_84] : memref<10112x128xf32, #tpu.memory_space<vmem_shared>> -> memref<10112x128xf32, #tpu.memory_space<vmem_shared>>
          tpu.wait_indirect_dma semaphore(%run_scoped3A : memref<!tpu.dma_semaphore, #tpu.memory_space<semaphore_mem>>) src(%arg10 : memref<125x128xf32, #tpu.memory_space<vmem>>) dst(%dma_wait3A_85 : memref<10112x128xf32, #tpu.memory_space<vmem_shared>>)
          tpu.yield
        }) : () -> ()
      }
      %scan3A_41 = arith.constant 20 : i32
    }
    %scan3A_19 = arith.constant 2 : i32
    %barrier3A_20 = arith.constant 0 : index
    tpu.barrier barrier_id(%barrier3A_20)
    %mul3A_21 = arith.constant 632 : i32
    %mul3A_22 = arith.muli %arg1, %mul3A_21 : i32
    %mul3A_23 = arith.constant 632 : i32
    %mul3A_24 = arith.muli %arg1, %mul3A_23 : i32
    "tpu.region"() ({
      %run_scoped3A = tpu.sem_alloc : memref<!tpu.dma_semaphore, #tpu.memory_space<semaphore_mem>>
      %dma_start3A_25 = arith.constant 0 : i32
      %dma_start3A_26 = tpu.memref_slice %arg6[%arg0, %mul3A_24, %dma_start3A_25] : memref<2x10112x128xf32, #tpu.memory_space<hbm>> -> memref<1x632x128xf32, #tpu.memory_space<hbm>>
      %dma_start3A_27 = tpu.memref_squeeze %dma_start3A_26 : memref<1x632x128xf32, #tpu.memory_space<hbm>> -> memref<632x128xf32, #tpu.memory_space<hbm>>
      %dma_start3A_28 = arith.constant 0 : i32
      %dma_start3A_29 = tpu.memref_slice %arg11[%mul3A_22, %dma_start3A_28] : memref<10112x128xf32, #tpu.memory_space<vmem_shared>> -> memref<632x128xf32, #tpu.memory_space<vmem_shared>>
      tpu.enqueue_dma source(%dma_start3A_29 : memref<632x128xf32, #tpu.memory_space<vmem_shared>>) target(%dma_start3A_27 : memref<632x128xf32, #tpu.memory_space<hbm>>) target_semaphore(%run_scoped3A : memref<!tpu.dma_semaphore, #tpu.memory_space<semaphore_mem>>)
      %dma_wait3A_30 = arith.constant 0 : i32
      %dma_wait3A_31 = tpu.memref_slice %arg6[%arg0, %mul3A_24, %dma_wait3A_30] : memref<2x10112x128xf32, #tpu.memory_space<hbm>> -> memref<1x632x128xf32, #tpu.memory_space<hbm>>
      %dma_wait3A_32 = tpu.memref_squeeze %dma_wait3A_31 : memref<1x632x128xf32, #tpu.memory_space<hbm>> -> memref<632x128xf32, #tpu.memory_space<hbm>>
      %dma_wait3A_33 = arith.constant 0 : i32
      %dma_wait3A_34 = tpu.memref_slice %arg11[%mul3A_22, %dma_wait3A_33] : memref<10112x128xf32, #tpu.memory_space<vmem_shared>> -> memref<632x128xf32, #tpu.memory_space<vmem_shared>>
      tpu.wait_dma2 semaphore(%run_scoped3A : memref<!tpu.dma_semaphore, #tpu.memory_space<semaphore_mem>>) src(%dma_wait3A_34 : memref<632x128xf32, #tpu.memory_space<vmem_shared>>) dst(%dma_wait3A_32 : memref<632x128xf32, #tpu.memory_space<hbm>>)
      tpu.yield
    }) : () -> ()
    return
  }
}

#map = affine_map<(d0, d1) -> (0, 0)>
#map1 = affine_map<(d0, d1) -> (0, 0, 0)>
module attributes {stable_mosaic.version = 14 : i64} {
  func.func @_sc_agg_body(%arg0: i32, %arg1: i32, %arg2: memref<10000x128xf32, #tpu.memory_space<hbm>>, %arg3: memref<2560x125xi32, #tpu.memory_space<hbm>>, %arg4: memref<2560x125xi32, #tpu.memory_space<hbm>>, %arg5: memref<632x128xf32, #tpu.memory_space<hbm>>, %arg6: memref<2x10112x128xf32, #tpu.memory_space<hbm>>, %arg7: memref<40x125xi32, #tpu.memory_space<vmem>>, %arg8: memref<80x125xi32, #tpu.memory_space<vmem>>, %arg9: memref<125x128xf32, #tpu.memory_space<vmem>>, %arg10: memref<125x128xf32, #tpu.memory_space<vmem>>, %arg11: memref<10112x128xf32, #tpu.memory_space<vmem_shared>>, %arg12: memref<!tpu.dma_semaphore, #tpu.memory_space<semaphore_mem>>, %arg13: memref<!tpu.dma_semaphore, #tpu.memory_space<semaphore_mem>>) attributes {dimension_semantics = [#tpu.dimension_semantics<core_parallel>, #tpu.dimension_semantics<subcore_parallel>], iteration_bounds = array<i64: 2, 16>, scalar_prefetch = 0 : i64, scratch_operands = 7 : i64, tpu.core_type = #tpu.core_type<sc_vector_subcore>, window_params = [{transform_indices = #map}, {transform_indices = #map}, {transform_indices = #map}, {transform_indices = #map}, {transform_indices = #map1}]} {
    %mul3A = arith.constant 16 : i32
    %mul3A_0 = arith.muli %arg0, %mul3A : i32
    %add3A = arith.addi %mul3A_0, %arg1 : i32
    %mul3A_1 = arith.constant 80 : i32
    %mul3A_2 = arith.muli %add3A, %mul3A_1 : i32
    %dma_start3A = arith.constant 0 : i32
    %dma_start3A_3 = tpu.memref_slice %arg4[%mul3A_2, %dma_start3A] : memref<2560x125xi32, #tpu.memory_space<hbm>> -> memref<80x125xi32, #tpu.memory_space<hbm>>
    %dma_start3A_4 = arith.constant 0 : i32
    %dma_start3A_5 = tpu.memref_slice %arg4[%mul3A_2, %dma_start3A_4] : memref<2560x125xi32, #tpu.memory_space<hbm>> -> memref<80x125xi32, #tpu.memory_space<hbm>>
    tpu.enqueue_dma source(%dma_start3A_5 : memref<80x125xi32, #tpu.memory_space<hbm>>) target(%arg8 : memref<80x125xi32, #tpu.memory_space<vmem>>) target_semaphore(%arg12 : memref<!tpu.dma_semaphore, #tpu.memory_space<semaphore_mem>>)
    %mul3A_6 = arith.constant 632 : i32
    %mul3A_7 = arith.muli %arg1, %mul3A_6 : i32
    %dma_start3A_8 = arith.constant 0 : i32
    %dma_start3A_9 = tpu.memref_slice %arg11[%mul3A_7, %dma_start3A_8] : memref<10112x128xf32, #tpu.memory_space<vmem_shared>> -> memref<632x128xf32, #tpu.memory_space<vmem_shared>>
    tpu.enqueue_dma source(%arg5 : memref<632x128xf32, #tpu.memory_space<hbm>>) target(%dma_start3A_9 : memref<632x128xf32, #tpu.memory_space<vmem_shared>>) target_semaphore(%arg13 : memref<!tpu.dma_semaphore, #tpu.memory_space<semaphore_mem>>)
    %dma_wait3A = arith.constant 0 : i32
    %dma_wait3A_10 = tpu.memref_slice %arg4[%mul3A_2, %dma_wait3A] : memref<2560x125xi32, #tpu.memory_space<hbm>> -> memref<80x125xi32, #tpu.memory_space<hbm>>
    %dma_wait3A_11 = arith.constant 0 : i32
    %dma_wait3A_12 = tpu.memref_slice %arg4[%mul3A_2, %dma_wait3A_11] : memref<2560x125xi32, #tpu.memory_space<hbm>> -> memref<80x125xi32, #tpu.memory_space<hbm>>
    tpu.wait_dma2 semaphore(%arg12 : memref<!tpu.dma_semaphore, #tpu.memory_space<semaphore_mem>>) src(%dma_wait3A_12 : memref<80x125xi32, #tpu.memory_space<hbm>>) dst(%arg8 : memref<80x125xi32, #tpu.memory_space<vmem>>)
    %dma_wait3A_13 = arith.constant 0 : i32
    %dma_wait3A_14 = tpu.memref_slice %arg11[%mul3A_7, %dma_wait3A_13] : memref<10112x128xf32, #tpu.memory_space<vmem_shared>> -> memref<632x128xf32, #tpu.memory_space<vmem_shared>>
    tpu.wait_dma2 semaphore(%arg13 : memref<!tpu.dma_semaphore, #tpu.memory_space<semaphore_mem>>) src(%arg5 : memref<632x128xf32, #tpu.memory_space<hbm>>) dst(%dma_wait3A_14 : memref<632x128xf32, #tpu.memory_space<vmem_shared>>)
    %barrier3A = arith.constant 0 : index
    tpu.barrier barrier_id(%barrier3A)
    %scan3A = arith.constant 0 : i32
    %scan3A_15 = arith.constant 0 : i32
    %scan3A_16 = arith.constant 2 : i32
    %scan3A_17 = arith.addi %scan3A_15, %scan3A_16 : i32
    %scan3A_18 = arith.constant 1 : i32
    scf.for %scan3A_25 = %scan3A_15 to %scan3A_17 step %scan3A_18  : i32 {
      %mul3A_26 = arith.constant 40 : i32
      %mul3A_27 = arith.muli %scan3A_25, %mul3A_26 : i32
      %multiple_of3A = tpu.assume_multiple %mul3A_27, 40 : i32
      %add3A_28 = arith.addi %mul3A_2, %multiple_of3A : i32
      "tpu.region"() ({
        %run_scoped3A = tpu.sem_alloc : memref<!tpu.dma_semaphore, #tpu.memory_space<semaphore_mem>>
        %dma_start3A_42 = arith.constant 0 : i32
        %dma_start3A_43 = tpu.memref_slice %arg3[%add3A_28, %dma_start3A_42] : memref<2560x125xi32, #tpu.memory_space<hbm>> -> memref<40x125xi32, #tpu.memory_space<hbm>>
        %dma_start3A_44 = arith.constant 0 : i32
        %dma_start3A_45 = tpu.memref_slice %arg3[%add3A_28, %dma_start3A_44] : memref<2560x125xi32, #tpu.memory_space<hbm>> -> memref<40x125xi32, #tpu.memory_space<hbm>>
        tpu.enqueue_dma source(%dma_start3A_45 : memref<40x125xi32, #tpu.memory_space<hbm>>) target(%arg7 : memref<40x125xi32, #tpu.memory_space<vmem>>) target_semaphore(%run_scoped3A : memref<!tpu.dma_semaphore, #tpu.memory_space<semaphore_mem>>)
        %dma_wait3A_46 = arith.constant 0 : i32
        %dma_wait3A_47 = tpu.memref_slice %arg3[%add3A_28, %dma_wait3A_46] : memref<2560x125xi32, #tpu.memory_space<hbm>> -> memref<40x125xi32, #tpu.memory_space<hbm>>
        %dma_wait3A_48 = arith.constant 0 : i32
        %dma_wait3A_49 = tpu.memref_slice %arg3[%add3A_28, %dma_wait3A_48] : memref<2560x125xi32, #tpu.memory_space<hbm>> -> memref<40x125xi32, #tpu.memory_space<hbm>>
        tpu.wait_dma2 semaphore(%run_scoped3A : memref<!tpu.dma_semaphore, #tpu.memory_space<semaphore_mem>>) src(%dma_wait3A_49 : memref<40x125xi32, #tpu.memory_space<hbm>>) dst(%arg7 : memref<40x125xi32, #tpu.memory_space<vmem>>)
        tpu.yield
      }) : () -> ()
      %dma_start3A_29 = arith.constant 0 : i32
      %dma_start3A_30 = arith.constant 0 : i32
      %dma_start3A_31 = tpu.memref_slice %arg7[%dma_start3A_29, %dma_start3A_30] : memref<40x125xi32, #tpu.memory_space<vmem>> -> memref<1x125xi32, #tpu.memory_space<vmem>>
      %dma_start3A_32 = tpu.memref_squeeze %dma_start3A_31 : memref<1x125xi32, #tpu.memory_space<vmem>> -> memref<125xi32, #tpu.memory_space<vmem>>
      %dma_start3A_33 = arith.constant 0 : i32
      %dma_start3A_34 = arith.constant 0 : i32
      %dma_start3A_35 = tpu.memref_slice %arg2[%dma_start3A_33, %dma_start3A_34] : memref<10000x128xf32, #tpu.memory_space<hbm>> -> memref<10000x128xf32, #tpu.memory_space<hbm>>
      tpu.enqueue_indirect_dma source(%dma_start3A_35 : memref<10000x128xf32, #tpu.memory_space<hbm>>) target(%arg9 : memref<125x128xf32, #tpu.memory_space<vmem>>) offsets(%dma_start3A_32 : memref<125xi32, #tpu.memory_space<vmem>>) semaphore(%arg12 : memref<!tpu.dma_semaphore, #tpu.memory_space<semaphore_mem>>)
      %scan3A_36 = arith.constant 0 : i32
      %scan3A_37 = arith.constant 0 : i32
      %scan3A_38 = arith.constant 20 : i32
      %scan3A_39 = arith.addi %scan3A_37, %scan3A_38 : i32
      %scan3A_40 = arith.constant 1 : i32
      scf.for %scan3A_42 = %scan3A_37 to %scan3A_39 step %scan3A_40  : i32 {
        %mul3A_43 = arith.constant 2 : i32
        %mul3A_44 = arith.muli %scan3A_42, %mul3A_43 : i32
        %add3A_45 = arith.constant 0 : i32
        %add3A_46 = arith.addi %mul3A_44, %add3A_45 : i32
        %add3A_47 = arith.constant 1 : i32
        %add3A_48 = arith.addi %add3A_46, %add3A_47 : i32
        %lt3A = arith.constant 40 : i32
        %lt3A_49 = arith.cmpi slt, %add3A_48, %lt3A : i32
        %convert_element_type3A = arith.extui %lt3A_49 : i1 to i32
        %cond3A = arith.constant 0 : i32
        %cond3A_50 = arith.cmpi ne, %convert_element_type3A, %cond3A : i32
        scf.if %cond3A_50 {
          %add3A_74 = arith.constant 1 : i32
          %add3A_75 = arith.addi %add3A_46, %add3A_74 : i32
          %dma_start3A_76 = arith.constant 0 : i32
          %dma_start3A_77 = tpu.memref_slice %arg7[%add3A_75, %dma_start3A_76] : memref<40x125xi32, #tpu.memory_space<vmem>> -> memref<1x125xi32, #tpu.memory_space<vmem>>
          %dma_start3A_78 = tpu.memref_squeeze %dma_start3A_77 : memref<1x125xi32, #tpu.memory_space<vmem>> -> memref<125xi32, #tpu.memory_space<vmem>>
          %dma_start3A_79 = arith.constant 0 : i32
          %dma_start3A_80 = arith.constant 0 : i32
          %dma_start3A_81 = tpu.memref_slice %arg2[%dma_start3A_79, %dma_start3A_80] : memref<10000x128xf32, #tpu.memory_space<hbm>> -> memref<10000x128xf32, #tpu.memory_space<hbm>>
          tpu.enqueue_indirect_dma source(%dma_start3A_81 : memref<10000x128xf32, #tpu.memory_space<hbm>>) target(%arg10 : memref<125x128xf32, #tpu.memory_space<vmem>>) offsets(%dma_start3A_78 : memref<125xi32, #tpu.memory_space<vmem>>) semaphore(%arg13 : memref<!tpu.dma_semaphore, #tpu.memory_space<semaphore_mem>>)
        } else {
        }
        %dma_wait3A_51 = arith.constant 0 : i32
        %dma_wait3A_52 = tpu.memref_slice %arg7[%add3A_46, %dma_wait3A_51] : memref<40x125xi32, #tpu.memory_space<vmem>> -> memref<1x125xi32, #tpu.memory_space<vmem>>
        %dma_wait3A_53 = tpu.memref_squeeze %dma_wait3A_52 : memref<1x125xi32, #tpu.memory_space<vmem>> -> memref<125xi32, #tpu.memory_space<vmem>>
        %dma_wait3A_54 = arith.constant 0 : i32
        %dma_wait3A_55 = arith.constant 0 : i32
        %dma_wait3A_56 = tpu.memref_slice %arg2[%dma_wait3A_54, %dma_wait3A_55] : memref<10000x128xf32, #tpu.memory_space<hbm>> -> memref<10000x128xf32, #tpu.memory_space<hbm>>
        tpu.wait_indirect_dma semaphore(%arg12 : memref<!tpu.dma_semaphore, #tpu.memory_space<semaphore_mem>>) src(%dma_wait3A_56 : memref<10000x128xf32, #tpu.memory_space<hbm>>) dst(%arg9 : memref<125x128xf32, #tpu.memory_space<vmem>>)
        %add3A_57 = arith.addi %multiple_of3A, %add3A_46 : i32
        "tpu.region"() ({
          %run_scoped3A = tpu.sem_alloc : memref<!tpu.dma_semaphore, #tpu.memory_space<semaphore_mem>>
          %dma_start3A_74 = arith.constant 0 : i32
          %dma_start3A_75 = tpu.memref_slice %arg8[%add3A_57, %dma_start3A_74] : memref<80x125xi32, #tpu.memory_space<vmem>> -> memref<1x125xi32, #tpu.memory_space<vmem>>
          %dma_start3A_76 = tpu.memref_squeeze %dma_start3A_75 : memref<1x125xi32, #tpu.memory_space<vmem>> -> memref<125xi32, #tpu.memory_space<vmem>>
          %dma_start3A_77 = arith.constant 0 : i32
          %dma_start3A_78 = arith.constant 0 : i32
          %dma_start3A_79 = tpu.memref_slice %arg11[%dma_start3A_77, %dma_start3A_78] : memref<10112x128xf32, #tpu.memory_space<vmem_shared>> -> memref<10112x128xf32, #tpu.memory_space<vmem_shared>>
          tpu.enqueue_indirect_dma source(%arg9 : memref<125x128xf32, #tpu.memory_space<vmem>>) target(%dma_start3A_79 : memref<10112x128xf32, #tpu.memory_space<vmem_shared>>) offsets(%dma_start3A_76 : memref<125xi32, #tpu.memory_space<vmem>>) semaphore(%run_scoped3A : memref<!tpu.dma_semaphore, #tpu.memory_space<semaphore_mem>>) {add = true}
          %dma_wait3A_80 = arith.constant 0 : i32
          %dma_wait3A_81 = tpu.memref_slice %arg8[%add3A_57, %dma_wait3A_80] : memref<80x125xi32, #tpu.memory_space<vmem>> -> memref<1x125xi32, #tpu.memory_space<vmem>>
          %dma_wait3A_82 = tpu.memref_squeeze %dma_wait3A_81 : memref<1x125xi32, #tpu.memory_space<vmem>> -> memref<125xi32, #tpu.memory_space<vmem>>
          %dma_wait3A_83 = arith.constant 0 : i32
          %dma_wait3A_84 = arith.constant 0 : i32
          %dma_wait3A_85 = tpu.memref_slice %arg11[%dma_wait3A_83, %dma_wait3A_84] : memref<10112x128xf32, #tpu.memory_space<vmem_shared>> -> memref<10112x128xf32, #tpu.memory_space<vmem_shared>>
          tpu.wait_indirect_dma semaphore(%run_scoped3A : memref<!tpu.dma_semaphore, #tpu.memory_space<semaphore_mem>>) src(%arg9 : memref<125x128xf32, #tpu.memory_space<vmem>>) dst(%dma_wait3A_85 : memref<10112x128xf32, #tpu.memory_space<vmem_shared>>)
          tpu.yield
        }) : () -> ()
        %add3A_58 = arith.constant 1 : i32
        %add3A_59 = arith.addi %mul3A_44, %add3A_58 : i32
        %add3A_60 = arith.constant 1 : i32
        %add3A_61 = arith.addi %add3A_59, %add3A_60 : i32
        %lt3A_62 = arith.constant 40 : i32
        %lt3A_63 = arith.cmpi slt, %add3A_61, %lt3A_62 : i32
        %convert_element_type3A_64 = arith.extui %lt3A_63 : i1 to i32
        %cond3A_65 = arith.constant 0 : i32
        %cond3A_66 = arith.cmpi ne, %convert_element_type3A_64, %cond3A_65 : i32
        scf.if %cond3A_66 {
          %add3A_74 = arith.constant 1 : i32
          %add3A_75 = arith.addi %add3A_59, %add3A_74 : i32
          %dma_start3A_76 = arith.constant 0 : i32
          %dma_start3A_77 = tpu.memref_slice %arg7[%add3A_75, %dma_start3A_76] : memref<40x125xi32, #tpu.memory_space<vmem>> -> memref<1x125xi32, #tpu.memory_space<vmem>>
          %dma_start3A_78 = tpu.memref_squeeze %dma_start3A_77 : memref<1x125xi32, #tpu.memory_space<vmem>> -> memref<125xi32, #tpu.memory_space<vmem>>
          %dma_start3A_79 = arith.constant 0 : i32
          %dma_start3A_80 = arith.constant 0 : i32
          %dma_start3A_81 = tpu.memref_slice %arg2[%dma_start3A_79, %dma_start3A_80] : memref<10000x128xf32, #tpu.memory_space<hbm>> -> memref<10000x128xf32, #tpu.memory_space<hbm>>
          tpu.enqueue_indirect_dma source(%dma_start3A_81 : memref<10000x128xf32, #tpu.memory_space<hbm>>) target(%arg9 : memref<125x128xf32, #tpu.memory_space<vmem>>) offsets(%dma_start3A_78 : memref<125xi32, #tpu.memory_space<vmem>>) semaphore(%arg12 : memref<!tpu.dma_semaphore, #tpu.memory_space<semaphore_mem>>)
        } else {
        }
        %dma_wait3A_67 = arith.constant 0 : i32
        %dma_wait3A_68 = tpu.memref_slice %arg7[%add3A_59, %dma_wait3A_67] : memref<40x125xi32, #tpu.memory_space<vmem>> -> memref<1x125xi32, #tpu.memory_space<vmem>>
        %dma_wait3A_69 = tpu.memref_squeeze %dma_wait3A_68 : memref<1x125xi32, #tpu.memory_space<vmem>> -> memref<125xi32, #tpu.memory_space<vmem>>
        %dma_wait3A_70 = arith.constant 0 : i32
        %dma_wait3A_71 = arith.constant 0 : i32
        %dma_wait3A_72 = tpu.memref_slice %arg2[%dma_wait3A_70, %dma_wait3A_71] : memref<10000x128xf32, #tpu.memory_space<hbm>> -> memref<10000x128xf32, #tpu.memory_space<hbm>>
        tpu.wait_indirect_dma semaphore(%arg13 : memref<!tpu.dma_semaphore, #tpu.memory_space<semaphore_mem>>) src(%dma_wait3A_72 : memref<10000x128xf32, #tpu.memory_space<hbm>>) dst(%arg10 : memref<125x128xf32, #tpu.memory_space<vmem>>)
        %add3A_73 = arith.addi %multiple_of3A, %add3A_59 : i32
        "tpu.region"() ({
          %run_scoped3A = tpu.sem_alloc : memref<!tpu.dma_semaphore, #tpu.memory_space<semaphore_mem>>
          %dma_start3A_74 = arith.constant 0 : i32
          %dma_start3A_75 = tpu.memref_slice %arg8[%add3A_73, %dma_start3A_74] : memref<80x125xi32, #tpu.memory_space<vmem>> -> memref<1x125xi32, #tpu.memory_space<vmem>>
          %dma_start3A_76 = tpu.memref_squeeze %dma_start3A_75 : memref<1x125xi32, #tpu.memory_space<vmem>> -> memref<125xi32, #tpu.memory_space<vmem>>
          %dma_start3A_77 = arith.constant 0 : i32
          %dma_start3A_78 = arith.constant 0 : i32
          %dma_start3A_79 = tpu.memref_slice %arg11[%dma_start3A_77, %dma_start3A_78] : memref<10112x128xf32, #tpu.memory_space<vmem_shared>> -> memref<10112x128xf32, #tpu.memory_space<vmem_shared>>
          tpu.enqueue_indirect_dma source(%arg10 : memref<125x128xf32, #tpu.memory_space<vmem>>) target(%dma_start3A_79 : memref<10112x128xf32, #tpu.memory_space<vmem_shared>>) offsets(%dma_start3A_76 : memref<125xi32, #tpu.memory_space<vmem>>) semaphore(%run_scoped3A : memref<!tpu.dma_semaphore, #tpu.memory_space<semaphore_mem>>) {add = true}
          %dma_wait3A_80 = arith.constant 0 : i32
          %dma_wait3A_81 = tpu.memref_slice %arg8[%add3A_73, %dma_wait3A_80] : memref<80x125xi32, #tpu.memory_space<vmem>> -> memref<1x125xi32, #tpu.memory_space<vmem>>
          %dma_wait3A_82 = tpu.memref_squeeze %dma_wait3A_81 : memref<1x125xi32, #tpu.memory_space<vmem>> -> memref<125xi32, #tpu.memory_space<vmem>>
          %dma_wait3A_83 = arith.constant 0 : i32
          %dma_wait3A_84 = arith.constant 0 : i32
          %dma_wait3A_85 = tpu.memref_slice %arg11[%dma_wait3A_83, %dma_wait3A_84] : memref<10112x128xf32, #tpu.memory_space<vmem_shared>> -> memref<10112x128xf32, #tpu.memory_space<vmem_shared>>
          tpu.wait_indirect_dma semaphore(%run_scoped3A : memref<!tpu.dma_semaphore, #tpu.memory_space<semaphore_mem>>) src(%arg10 : memref<125x128xf32, #tpu.memory_space<vmem>>) dst(%dma_wait3A_85 : memref<10112x128xf32, #tpu.memory_space<vmem_shared>>)
          tpu.yield
        }) : () -> ()
      }
      %scan3A_41 = arith.constant 20 : i32
    }
    %scan3A_19 = arith.constant 2 : i32
    %barrier3A_20 = arith.constant 0 : index
    tpu.barrier barrier_id(%barrier3A_20)
    %mul3A_21 = arith.constant 632 : i32
    %mul3A_22 = arith.muli %arg1, %mul3A_21 : i32
    %mul3A_23 = arith.constant 632 : i32
    %mul3A_24 = arith.muli %arg1, %mul3A_23 : i32
    "tpu.region"() ({
      %run_scoped3A = tpu.sem_alloc : memref<!tpu.dma_semaphore, #tpu.memory_space<semaphore_mem>>
      %dma_start3A_25 = arith.constant 0 : i32
      %dma_start3A_26 = tpu.memref_slice %arg6[%arg0, %mul3A_24, %dma_start3A_25] : memref<2x10112x128xf32, #tpu.memory_space<hbm>> -> memref<1x632x128xf32, #tpu.memory_space<hbm>>
      %dma_start3A_27 = tpu.memref_squeeze %dma_start3A_26 : memref<1x632x128xf32, #tpu.memory_space<hbm>> -> memref<632x128xf32, #tpu.memory_space<hbm>>
      %dma_start3A_28 = arith.constant 0 : i32
      %dma_start3A_29 = tpu.memref_slice %arg11[%mul3A_22, %dma_start3A_28] : memref<10112x128xf32, #tpu.memory_space<vmem_shared>> -> memref<632x128xf32, #tpu.memory_space<vmem_shared>>
      tpu.enqueue_dma source(%dma_start3A_29 : memref<632x128xf32, #tpu.memory_space<vmem_shared>>) target(%dma_start3A_27 : memref<632x128xf32, #tpu.memory_space<hbm>>) target_semaphore(%run_scoped3A : memref<!tpu.dma_semaphore, #tpu.memory_space<semaphore_mem>>)
      %dma_wait3A_30 = arith.constant 0 : i32
      %dma_wait3A_31 = tpu.memref_slice %arg6[%arg0, %mul3A_24, %dma_wait3A_30] : memref<2x10112x128xf32, #tpu.memory_space<hbm>> -> memref<1x632x128xf32, #tpu.memory_space<hbm>>
      %dma_wait3A_32 = tpu.memref_squeeze %dma_wait3A_31 : memref<1x632x128xf32, #tpu.memory_space<hbm>> -> memref<632x128xf32, #tpu.memory_space<hbm>>
      %dma_wait3A_33 = arith.constant 0 : i32
      %dma_wait3A_34 = tpu.memref_slice %arg11[%mul3A_22, %dma_wait3A_33] : memref<10112x128xf32, #tpu.memory_space<vmem_shared>> -> memref<632x128xf32, #tpu.memory_space<vmem_shared>>
      tpu.wait_dma2 semaphore(%run_scoped3A : memref<!tpu.dma_semaphore, #tpu.memory_space<semaphore_mem>>) src(%dma_wait3A_34 : memref<632x128xf32, #tpu.memory_space<vmem_shared>>) dst(%dma_wait3A_32 : memref<632x128xf32, #tpu.memory_space<hbm>>)
      tpu.yield
    }) : () -> ()
    return
  }
}

module attributes {stable_mosaic.version = 14 : i64} {
  func.func @_mm_body(%arg0: i32, %arg1: memref<5000x128xf32, #tpu.memory_space<vmem>>, %arg2: memref<128x128xf32, #tpu.memory_space<vmem>>, %arg3: memref<5000x128xf32, #tpu.memory_space<vmem>>) attributes {dimension_semantics = [#tpu.dimension_semantics<arbitrary>], iteration_bounds = array<i64: 2>, scalar_prefetch = 0 : i64, scratch_operands = 0 : i64, tpu.core_type = #tpu.core_type<tc>, window_params = [{transform_indices = @transform_0, window_bounds = array<i64: 5000, 128>}, {pipeline_mode = #tpu.pipeline_mode<synchronous>, transform_indices = @transform_1, window_bounds = array<i64: 128, 128>}, {transform_indices = @transform_2, window_bounds = array<i64: 5000, 128>}]} {
    %get3A = arith.constant 0 : index
    %get3A_0 = arith.constant 0 : index
    %get3A_1 = vector.load %arg1[%get3A, %get3A_0] : memref<5000x128xf32, #tpu.memory_space<vmem>>, vector<5000x128xf32>
    %get3A_2 = arith.constant 0 : index
    %get3A_3 = arith.constant 0 : index
    %get3A_4 = vector.load %arg2[%get3A_2, %get3A_3] : memref<128x128xf32, #tpu.memory_space<vmem>>, vector<128x128xf32>
    %dot_general3A = arith.constant dense<0.000000e+00> : vector<5000x128xf32>
    %dot_general3A_5 = tpu.matmul %get3A_1, %get3A_4, %dot_general3A {dimension_numbers = #tpu.dot_dimension_numbers<[1], [0], [0], [1], [0, 0, 1, 1], [], []>, transpose_lhs_hint = false} : vector<5000x128xf32>, vector<128x128xf32>, vector<5000x128xf32> -> vector<5000x128xf32>
    %swap3A = arith.constant 0 : index
    %swap3A_6 = arith.constant 0 : index
    %swap3A_7 = vector.load %arg3[%swap3A, %swap3A_6] : memref<5000x128xf32, #tpu.memory_space<vmem>>, vector<5000x128xf32>
    tpu.vector_store %arg3[%swap3A, %swap3A_6], %dot_general3A_5 {strides = array<i32>} : memref<5000x128xf32, #tpu.memory_space<vmem>>, vector<5000x128xf32>,
    return
  }
  func.func @transform_0(%arg0: i32) -> (i32, i32) {
    %c0_i32 = arith.constant 0 : i32
    %c0_i32_0 = arith.constant 0 : i32
    return %arg0, %c0_i32 : i32, i32
  }
  func.func @transform_1(%arg0: i32) -> (i32, i32) {
    %c0_i32 = arith.constant 0 : i32
    %c0_i32_0 = arith.constant 0 : i32
    %c0_i32_1 = arith.constant 0 : i32
    return %c0_i32, %c0_i32_0 : i32, i32
  }
  func.func @transform_2(%arg0: i32) -> (i32, i32) {
    %c0_i32 = arith.constant 0 : i32
    %c0_i32_0 = arith.constant 0 : i32
    return %arg0, %c0_i32 : i32, i32
  }
}

module attributes {stable_mosaic.version = 14 : i64} {
  func.func @_fuse_body(%arg0: i32, %arg1: memref<2x5000x128xf32, #tpu.memory_space<vmem>>, %arg2: memref<1x128xf32, #tpu.memory_space<vmem>>, %arg3: memref<128x128xf32, #tpu.memory_space<vmem>>, %arg4: memref<5000x128xf32, #tpu.memory_space<vmem>>) attributes {dimension_semantics = [#tpu.dimension_semantics<arbitrary>], iteration_bounds = array<i64: 2>, scalar_prefetch = 0 : i64, scratch_operands = 0 : i64, tpu.core_type = #tpu.core_type<tc>, window_params = [{transform_indices = @transform_0, window_bounds = array<i64: 2, 5000, 128>}, {pipeline_mode = #tpu.pipeline_mode<synchronous>, transform_indices = @transform_1, window_bounds = array<i64: 1, 128>}, {pipeline_mode = #tpu.pipeline_mode<synchronous>, transform_indices = @transform_2, window_bounds = array<i64: 128, 128>}, {transform_indices = @transform_3, window_bounds = array<i64: 5000, 128>}]} {
    %get3A = arith.constant 0 : index
    %get3A_0 = arith.constant 0 : index
    %get3A_1 = arith.constant 0 : index
    %get3A_2 = vector.load %arg1[%get3A, %get3A_0, %get3A_1] : memref<2x5000x128xf32, #tpu.memory_space<vmem>>, vector<1x5000x128xf32>
    %get3A_3 = vector.shape_cast %get3A_2 : vector<1x5000x128xf32> to vector<5000x128xf32>
    %get3A_4 = arith.constant 1 : index
    %get3A_5 = arith.constant 0 : index
    %get3A_6 = arith.constant 0 : index
    %get3A_7 = vector.load %arg1[%get3A_4, %get3A_5, %get3A_6] : memref<2x5000x128xf32, #tpu.memory_space<vmem>>, vector<1x5000x128xf32>
    %get3A_8 = vector.shape_cast %get3A_7 : vector<1x5000x128xf32> to vector<5000x128xf32>
    %add3A = arith.addf %get3A_3, %get3A_8 : vector<5000x128xf32>
    %get3A_9 = arith.constant 0 : index
    %get3A_10 = arith.constant 0 : index
    %get3A_11 = vector.load %arg2[%get3A_9, %get3A_10] : memref<1x128xf32, #tpu.memory_space<vmem>>, vector<1x128xf32>
    %add3A_12 = vector.broadcast %get3A_11 : vector<1x128xf32> to vector<5000x128xf32>
    %add3A_13 = arith.addf %add3A, %add3A_12 : vector<5000x128xf32>
    %max3A = arith.constant 0.000000e+00 : f32
    %max3A_14 = vector.broadcast %max3A : f32 to vector<5000x128xf32>
    %max3A_15 = arith.maximumf %add3A_13, %max3A_14 : vector<5000x128xf32>
    %get3A_16 = arith.constant 0 : index
    %get3A_17 = arith.constant 0 : index
    %get3A_18 = vector.load %arg3[%get3A_16, %get3A_17] : memref<128x128xf32, #tpu.memory_space<vmem>>, vector<128x128xf32>
    %dot_general3A = arith.constant dense<0.000000e+00> : vector<5000x128xf32>
    %dot_general3A_19 = tpu.matmul %max3A_15, %get3A_18, %dot_general3A {dimension_numbers = #tpu.dot_dimension_numbers<[1], [0], [0], [1], [0, 0, 1, 1], [], []>, transpose_lhs_hint = false} : vector<5000x128xf32>, vector<128x128xf32>, vector<5000x128xf32> -> vector<5000x128xf32>
    %swap3A = arith.constant 0 : index
    %swap3A_20 = arith.constant 0 : index
    %swap3A_21 = vector.load %arg4[%swap3A, %swap3A_20] : memref<5000x128xf32, #tpu.memory_space<vmem>>, vector<5000x128xf32>
    tpu.vector_store %arg4[%swap3A, %swap3A_20], %dot_general3A_19 {strides = array<i32>} : memref<5000x128xf32, #tpu.memory_space<vmem>>, vector<5000x128xf32>,
    return
  }
  func.func @transform_0(%arg0: i32) -> (i32, i32, i32) {
    %c0_i32 = arith.constant 0 : i32
    %c0_i32_0 = arith.constant 0 : i32
    %c0_i32_1 = arith.constant 0 : i32
    return %c0_i32, %arg0, %c0_i32_0 : i32, i32, i32
  }
  func.func @transform_1(%arg0: i32) -> (i32, i32) {
    %c0_i32 = arith.constant 0 : i32
    %c0_i32_0 = arith.constant 0 : i32
    %c0_i32_1 = arith.constant 0 : i32
    return %c0_i32, %c0_i32_0 : i32, i32
  }
  func.func @transform_2(%arg0: i32) -> (i32, i32) {
    %c0_i32 = arith.constant 0 : i32
    %c0_i32_0 = arith.constant 0 : i32
    %c0_i32_1 = arith.constant 0 : i32
    return %c0_i32, %c0_i32_0 : i32, i32
  }
  func.func @transform_3(%arg0: i32) -> (i32, i32) {
    %c0_i32 = arith.constant 0 : i32
    %c0_i32_0 = arith.constant 0 : i32
    return %arg0, %c0_i32 : i32, i32
  }
}

module attributes {stable_mosaic.version = 14 : i64} {
  func.func @_head_body(%arg0: i32, %arg1: memref<2x2000x128xf32, #tpu.memory_space<vmem>>, %arg2: memref<1x128xf32, #tpu.memory_space<vmem>>, %arg3: memref<1x16xf32, #tpu.memory_space<vmem>>, %arg4: memref<128x500xf32, #tpu.memory_space<vmem>>, %arg5: memref<16x500xf32, #tpu.memory_space<vmem>>, %arg6: memref<1x500xf32, #tpu.memory_space<vmem>>, %arg7: memref<500x100xf32, #tpu.memory_space<vmem>>, %arg8: memref<1x100xf32, #tpu.memory_space<vmem>>, %arg9: memref<100x10xf32, #tpu.memory_space<vmem>>, %arg10: memref<1x10xf32, #tpu.memory_space<vmem>>, %arg11: memref<1x10xf32, #tpu.memory_space<vmem>>, %arg12: memref<1x128xf32, #tpu.memory_space<vmem>>) attributes {dimension_semantics = [#tpu.dimension_semantics<arbitrary>], iteration_bounds = array<i64: 5>, scalar_prefetch = 0 : i64, scratch_operands = 1 : i64, tpu.core_type = #tpu.core_type<tc>, window_params = [{transform_indices = @transform_0, window_bounds = array<i64: 2, 2000, 128>}, {pipeline_mode = #tpu.pipeline_mode<synchronous>, transform_indices = @transform_1, window_bounds = array<i64: 1, 128>}, {pipeline_mode = #tpu.pipeline_mode<synchronous>, transform_indices = @transform_2, window_bounds = array<i64: 1, 16>}, {pipeline_mode = #tpu.pipeline_mode<synchronous>, transform_indices = @transform_3, window_bounds = array<i64: 128, 500>}, {pipeline_mode = #tpu.pipeline_mode<synchronous>, transform_indices = @transform_4, window_bounds = array<i64: 16, 500>}, {pipeline_mode = #tpu.pipeline_mode<synchronous>, transform_indices = @transform_5, window_bounds = array<i64: 1, 500>}, {pipeline_mode = #tpu.pipeline_mode<synchronous>, transform_indices = @transform_6, window_bounds = array<i64: 500, 100>}, {pipeline_mode = #tpu.pipeline_mode<synchronous>, transform_indices = @transform_7, window_bounds = array<i64: 1, 100>}, {pipeline_mode = #tpu.pipeline_mode<synchronous>, transform_indices = @transform_8, window_bounds = array<i64: 100, 10>}, {pipeline_mode = #tpu.pipeline_mode<synchronous>, transform_indices = @transform_9, window_bounds = array<i64: 1, 10>}, {pipeline_mode = #tpu.pipeline_mode<synchronous>, transform_indices = @transform_10, window_bounds = array<i64: 1, 10>}]} {
    %eq3A = arith.constant 0 : i32
    %eq3A_0 = arith.cmpi eq, %arg0, %eq3A : i32
    %convert_element_type3A = arith.extui %eq3A_0 : i1 to i32
    %cond3A = arith.constant 0 : i32
    %cond3A_1 = arith.cmpi ne, %convert_element_type3A, %cond3A : i32
    scf.if %cond3A_1 {
      %broadcast_in_dim3A_30 = arith.constant 0.000000e+00 : f32
      %broadcast_in_dim3A_31 = vector.broadcast %broadcast_in_dim3A_30 : f32 to vector<1x128xf32>
      %swap3A_32 = arith.constant 0 : index
      %swap3A_33 = arith.constant 0 : index
      %swap3A_34 = vector.load %arg12[%swap3A_32, %swap3A_33] : memref<1x128xf32, #tpu.memory_space<vmem>>, vector<1x128xf32>
      tpu.vector_store %arg12[%swap3A_32, %swap3A_33], %broadcast_in_dim3A_31 {strides = array<i32>} : memref<1x128xf32, #tpu.memory_space<vmem>>, vector<1x128xf32>,
    } else {
    }
    %get3A = arith.constant 0 : index
    %get3A_2 = arith.constant 0 : index
    %get3A_3 = arith.constant 0 : index
    %get3A_4 = vector.load %arg1[%get3A, %get3A_2, %get3A_3] : memref<2x2000x128xf32, #tpu.memory_space<vmem>>, vector<1x2000x128xf32>
    %get3A_5 = vector.shape_cast %get3A_4 : vector<1x2000x128xf32> to vector<2000x128xf32>
    %get3A_6 = arith.constant 1 : index
    %get3A_7 = arith.constant 0 : index
    %get3A_8 = arith.constant 0 : index
    %get3A_9 = vector.load %arg1[%get3A_6, %get3A_7, %get3A_8] : memref<2x2000x128xf32, #tpu.memory_space<vmem>>, vector<1x2000x128xf32>
    %get3A_10 = vector.shape_cast %get3A_9 : vector<1x2000x128xf32> to vector<2000x128xf32>
    %add3A = arith.addf %get3A_5, %get3A_10 : vector<2000x128xf32>
    %get3A_11 = arith.constant 0 : index
    %get3A_12 = arith.constant 0 : index
    %get3A_13 = vector.load %arg2[%get3A_11, %get3A_12] : memref<1x128xf32, #tpu.memory_space<vmem>>, vector<1x128xf32>
    %add3A_14 = vector.broadcast %get3A_13 : vector<1x128xf32> to vector<2000x128xf32>
    %add3A_15 = arith.addf %add3A, %add3A_14 : vector<2000x128xf32>
    %max3A = arith.constant 0.000000e+00 : f32
    %max3A_16 = vector.broadcast %max3A : f32 to vector<2000x128xf32>
    %max3A_17 = arith.maximumf %add3A_15, %max3A_16 : vector<2000x128xf32>
    %get3A_18 = arith.constant 0 : index
    %get3A_19 = arith.constant 0 : index
    %get3A_20 = vector.load %arg12[%get3A_18, %get3A_19] : memref<1x128xf32, #tpu.memory_space<vmem>>, vector<1x128xf32>
    %reduce_sum3A = arith.constant dense<0.000000e+00> : vector<128xf32>
    %reduce_sum3A_21 = vector.multi_reduction <add>, %max3A_17, %reduce_sum3A [0] : vector<2000x128xf32> to vector<128xf32>
    %broadcast_in_dim3A = vector.shape_cast %reduce_sum3A_21 : vector<128xf32> to vector<1x128xf32>
    %add3A_22 = arith.addf %get3A_20, %broadcast_in_dim3A : vector<1x128xf32>
    %swap3A = arith.constant 0 : index
    %swap3A_23 = arith.constant 0 : index
    %swap3A_24 = vector.load %arg12[%swap3A, %swap3A_23] : memref<1x128xf32, #tpu.memory_space<vmem>>, vector<1x128xf32>
    tpu.vector_store %arg12[%swap3A, %swap3A_23], %add3A_22 {strides = array<i32>} : memref<1x128xf32, #tpu.memory_space<vmem>>, vector<1x128xf32>,
    %eq3A_25 = arith.constant 4 : i32
    %eq3A_26 = arith.cmpi eq, %arg0, %eq3A_25 : i32
    %convert_element_type3A_27 = arith.extui %eq3A_26 : i1 to i32
    %cond3A_28 = arith.constant 0 : i32
    %cond3A_29 = arith.cmpi ne, %convert_element_type3A_27, %cond3A_28 : i32
    scf.if %cond3A_29 {
      %get3A_30 = arith.constant 0 : index
      %get3A_31 = arith.constant 0 : index
      %get3A_32 = vector.load %arg12[%get3A_30, %get3A_31] : memref<1x128xf32, #tpu.memory_space<vmem>>, vector<1x128xf32>
      %mul3A = arith.constant 9.99999974E-5 : f32
      %mul3A_33 = vector.broadcast %mul3A : f32 to vector<1x128xf32>
      %mul3A_34 = arith.mulf %get3A_32, %mul3A_33 : vector<1x128xf32>
      %get3A_35 = arith.constant 0 : index
      %get3A_36 = arith.constant 0 : index
      %get3A_37 = vector.load %arg4[%get3A_35, %get3A_36] : memref<128x500xf32, #tpu.memory_space<vmem>>, vector<128x500xf32>
      %dot_general3A = arith.constant dense<0.000000e+00> : vector<1x500xf32>
      %dot_general3A_38 = tpu.matmul %mul3A_34, %get3A_37, %dot_general3A {dimension_numbers = #tpu.dot_dimension_numbers<[1], [0], [0], [1], [0, 0, 1, 1], [], []>, transpose_lhs_hint = false} : vector<1x128xf32>, vector<128x500xf32>, vector<1x500xf32> -> vector<1x500xf32>
      %get3A_39 = arith.constant 0 : index
      %get3A_40 = arith.constant 0 : index
      %get3A_41 = vector.load %arg3[%get3A_39, %get3A_40] : memref<1x16xf32, #tpu.memory_space<vmem>>, vector<1x16xf32>
      %get3A_42 = arith.constant 0 : index
      %get3A_43 = arith.constant 0 : index
      %get3A_44 = vector.load %arg5[%get3A_42, %get3A_43] : memref<16x500xf32, #tpu.memory_space<vmem>>, vector<16x500xf32>
      %dot_general3A_45 = arith.constant dense<0.000000e+00> : vector<1x500xf32>
      %dot_general3A_46 = tpu.matmul %get3A_41, %get3A_44, %dot_general3A_45 {dimension_numbers = #tpu.dot_dimension_numbers<[1], [0], [0], [1], [0, 0, 1, 1], [], []>, transpose_lhs_hint = false} : vector<1x16xf32>, vector<16x500xf32>, vector<1x500xf32> -> vector<1x500xf32>
      %add3A_47 = arith.addf %dot_general3A_38, %dot_general3A_46 : vector<1x500xf32>
      %get3A_48 = arith.constant 0 : index
      %get3A_49 = arith.constant 0 : index
      %get3A_50 = vector.load %arg6[%get3A_48, %get3A_49] : memref<1x500xf32, #tpu.memory_space<vmem>>, vector<1x500xf32>
      %add3A_51 = arith.addf %add3A_47, %get3A_50 : vector<1x500xf32>
      %max3A_52 = arith.constant 0.000000e+00 : f32
      %max3A_53 = vector.broadcast %max3A_52 : f32 to vector<1x500xf32>
      %max3A_54 = arith.maximumf %add3A_51, %max3A_53 : vector<1x500xf32>
      %get3A_55 = arith.constant 0 : index
      %get3A_56 = arith.constant 0 : index
      %get3A_57 = vector.load %arg7[%get3A_55, %get3A_56] : memref<500x100xf32, #tpu.memory_space<vmem>>, vector<500x100xf32>
      %dot_general3A_58 = arith.constant dense<0.000000e+00> : vector<1x100xf32>
      %dot_general3A_59 = tpu.matmul %max3A_54, %get3A_57, %dot_general3A_58 {dimension_numbers = #tpu.dot_dimension_numbers<[1], [0], [0], [1], [0, 0, 1, 1], [], []>, transpose_lhs_hint = false} : vector<1x500xf32>, vector<500x100xf32>, vector<1x100xf32> -> vector<1x100xf32>
      %get3A_60 = arith.constant 0 : index
      %get3A_61 = arith.constant 0 : index
      %get3A_62 = vector.load %arg8[%get3A_60, %get3A_61] : memref<1x100xf32, #tpu.memory_space<vmem>>, vector<1x100xf32>
      %add3A_63 = arith.addf %dot_general3A_59, %get3A_62 : vector<1x100xf32>
      %max3A_64 = arith.constant 0.000000e+00 : f32
      %max3A_65 = vector.broadcast %max3A_64 : f32 to vector<1x100xf32>
      %max3A_66 = arith.maximumf %add3A_63, %max3A_65 : vector<1x100xf32>
      %get3A_67 = arith.constant 0 : index
      %get3A_68 = arith.constant 0 : index
      %get3A_69 = vector.load %arg9[%get3A_67, %get3A_68] : memref<100x10xf32, #tpu.memory_space<vmem>>, vector<100x10xf32>
      %dot_general3A_70 = arith.constant dense<0.000000e+00> : vector<1x10xf32>
      %dot_general3A_71 = tpu.matmul %max3A_66, %get3A_69, %dot_general3A_70 {dimension_numbers = #tpu.dot_dimension_numbers<[1], [0], [0], [1], [0, 0, 1, 1], [], []>, transpose_lhs_hint = false} : vector<1x100xf32>, vector<100x10xf32>, vector<1x10xf32> -> vector<1x10xf32>
      %get3A_72 = arith.constant 0 : index
      %get3A_73 = arith.constant 0 : index
      %get3A_74 = vector.load %arg10[%get3A_72, %get3A_73] : memref<1x10xf32, #tpu.memory_space<vmem>>, vector<1x10xf32>
      %add3A_75 = arith.addf %dot_general3A_71, %get3A_74 : vector<1x10xf32>
      %swap3A_76 = arith.constant 0 : index
      %swap3A_77 = arith.constant 0 : index
      %swap3A_78 = vector.load %arg11[%swap3A_76, %swap3A_77] : memref<1x10xf32, #tpu.memory_space<vmem>>, vector<1x10xf32>
      tpu.vector_store %arg11[%swap3A_76, %swap3A_77], %add3A_75 {strides = array<i32>} : memref<1x10xf32, #tpu.memory_space<vmem>>, vector<1x10xf32>,
    } else {
    }
    return
  }
  func.func @transform_0(%arg0: i32) -> (i32, i32, i32) {
    %c0_i32 = arith.constant 0 : i32
    %c0_i32_0 = arith.constant 0 : i32
    %c0_i32_1 = arith.constant 0 : i32
    return %c0_i32, %arg0, %c0_i32_0 : i32, i32, i32
  }
  func.func @transform_1(%arg0: i32) -> (i32, i32) {
    %c0_i32 = arith.constant 0 : i32
    %c0_i32_0 = arith.constant 0 : i32
    %c0_i32_1 = arith.constant 0 : i32
    return %c0_i32, %c0_i32_0 : i32, i32
  }
  func.func @transform_2(%arg0: i32) -> (i32, i32) {
    %c0_i32 = arith.constant 0 : i32
    %c0_i32_0 = arith.constant 0 : i32
    %c0_i32_1 = arith.constant 0 : i32
    return %c0_i32, %c0_i32_0 : i32, i32
  }
  func.func @transform_3(%arg0: i32) -> (i32, i32) {
    %c0_i32 = arith.constant 0 : i32
    %c0_i32_0 = arith.constant 0 : i32
    %c0_i32_1 = arith.constant 0 : i32
    return %c0_i32, %c0_i32_0 : i32, i32
  }
  func.func @transform_4(%arg0: i32) -> (i32, i32) {
    %c0_i32 = arith.constant 0 : i32
    %c0_i32_0 = arith.constant 0 : i32
    %c0_i32_1 = arith.constant 0 : i32
    return %c0_i32, %c0_i32_0 : i32, i32
  }
  func.func @transform_5(%arg0: i32) -> (i32, i32) {
    %c0_i32 = arith.constant 0 : i32
    %c0_i32_0 = arith.constant 0 : i32
    %c0_i32_1 = arith.constant 0 : i32
    return %c0_i32, %c0_i32_0 : i32, i32
  }
  func.func @transform_6(%arg0: i32) -> (i32, i32) {
    %c0_i32 = arith.constant 0 : i32
    %c0_i32_0 = arith.constant 0 : i32
    %c0_i32_1 = arith.constant 0 : i32
    return %c0_i32, %c0_i32_0 : i32, i32
  }
  func.func @transform_7(%arg0: i32) -> (i32, i32) {
    %c0_i32 = arith.constant 0 : i32
    %c0_i32_0 = arith.constant 0 : i32
    %c0_i32_1 = arith.constant 0 : i32
    return %c0_i32, %c0_i32_0 : i32, i32
  }
  func.func @transform_8(%arg0: i32) -> (i32, i32) {
    %c0_i32 = arith.constant 0 : i32
    %c0_i32_0 = arith.constant 0 : i32
    %c0_i32_1 = arith.constant 0 : i32
    return %c0_i32, %c0_i32_0 : i32, i32
  }
  func.func @transform_9(%arg0: i32) -> (i32, i32) {
    %c0_i32 = arith.constant 0 : i32
    %c0_i32_0 = arith.constant 0 : i32
    %c0_i32_1 = arith.constant 0 : i32
    return %c0_i32, %c0_i32_0 : i32, i32
  }
  func.func @transform_10(%arg0: i32) -> (i32, i32) {
    %c0_i32 = arith.constant 0 : i32
    %c0_i32_0 = arith.constant 0 : i32
    %c0_i32_1 = arith.constant 0 : i32
    return %c0_i32, %c0_i32_0 : i32, i32
  }
}

</mosaic_0001>

<sc_bundles>
// kernel: kernel.10.cloned.1.call-start
scs
__scs_entry_jumppad:
0x0: {  	(pc) =	sbr.rel $0x88, $3  }
0x1: {  	(tag) =	ssettag $0x0;
	lr =	simm.s32 $0x1  }
0x2: {  	[smem:$0x3F94] =	sst lr;
	_ =	strace $0xD0000000  }
0x3: {  	_ = 	snop  }
0x4: {  	_ = 	snop  }
0x5: {  	_ = 	snop  }
0x6: {  	_ = 	snop  }
0x7: {  	_ = 	snop  }
__scs_overlays_trampoline_lowered:
0x8: {  	[smem:$0x3FA3] =	sst s0  }
0x9: {  	[smem:$0x3FA4] =	sst s1  }
0xa: {  	[smem:$0x3FA5] =	sst s2  }
0xb: {  	[smem:$0x3FA6] =	sst s3  }
0xc: {  	[smem:$0x3FA7] =	sst s4  }
0xd: {  	[smem:$0x3FA8] =	sst s5  }
0xe: {  	[smem:$0x3FA9] =	sst s6  }
0xf: {  	[smem:$0x3FAA] =	sst s7  }
0x10: {  	[smem:$0x3FAB] =	sst s8  }
0x11: {  	[smem:$0x3FAC] =	sst s9;
	s0 =	simm.s32 @!p0 $0x0  }
0x12: {  	s1 =	sld [smem:$0x3F92];
	s0 =	simm.s32 @p0 $0x1  }
0x13: {  	[smem:$0x3FAD] =	sst s0;
	s0 =	simm.s32 @!p1 $0x0  }
0x14: {  	s2 =	sld [smem:$0x3F91];
	s0 =	simm.s32 @p1 $0x1  }
0x15: {  	[smem:$0x3FAE] =	sst s0;
	s0 =	simm.s32 @!p2 $0x0  }
0x16: {  	s3 =	sld [smem:$0x3FDB];
	s0 =	simm.s32 @p2 $0x1  }
0x17: {  	s4 =	simm.s32 $0x1BF5;
	[smem:$0x3FB0] =	sst s0  }
0x18: {  	s0 =	sld [smem:$0x3F93];
	_ =	swait.ge [sflag:s4], $0x0  }
0x19: {  	s7 =	sld [smem:$0x3F94]  }
0x1a: {  	s8 =	sadd.s32 $0xFFFFE003, lr  }
0x1b: {  	s9 =	sadd.s32 $0xFFFFFEF7, lr;
	s5 =	simm.s32 $0xFFFFFFFF;
	p2 =	slt.u32 s8, $0xFFFFF086  }
0x1c: {  	p1 =	slt.u32 s9, $0xF7A;
	s5 =	simm.s32 @!p2 $0x0  }
0x1d: {  	s5 =	simm.s32 @p1 $0x1;
	p0 =	seq.s32 s7, s2  }
0x1e: {  	s7 =	smul.u32 @!p0 $0xF7A, s2;
	p2 =	seq.s32 @!p0 s5, $0x0  }
0x1f: {  	s9 =	smul.u32 $0xF7A, s1;
	s8 =	simm.s32 @!p0 $0x1BF5;
	p2 =	por !p2, p0  }
0x20: {  	[sflag:s8] =	ssyncset.s32 @!p0 $0xFFFFF086;
	s6 =	sadd.s32 @!p0 s3, s7;
	s7 =	simm.s32 @!p0 $0x108  }
0x21: {  	s3 =	sadd.s32 s3, s9;
	s6 =	sadd.s32 @!p0 $0x88, s6;
	s7 =	simm.s32 @p2 $0x1082  }
0x22: {  	[simem:s7], [sflag:s8] =	dma.local @!p0 [hbm:s6], $0xF7A  }
0x23: {  	s9 =	sor.u32 $0xD0000000, s2;
	s6 =	simm.s32 $0x108;
	_ =	swait.ge @!p0 [sflag:s8], $0x0  }
0x24: {  	s3 =	sadd.s32 $0x88, s3;
	s6 =	simm.s32 @!p1 $0x1082;
	[sflag:s4] =	ssyncset.s32 $0xFFFFF086  }
0x25: {  	[simem:s6], [sflag:s4] =	dma.local [hbm:s3], $0xF7A  }
0x26: {  	[smem:$0x3F94] =	sst s1;
	(tag) =	ssettag s2;
	_ =	strace s9  }
0x27: {  	s1 =	sld [smem:$0x3FA4]  }
0x28: {  	s2 =	sld [smem:$0x3FA5]  }
0x29: {  	s4 =	sld [smem:$0x3FA7]  }
0x2a: {  	p0 =	seq.s32 s5, $0x0;
	s5 =	sld [smem:$0x3FA8]  }
0x2b: {  	s6 =	sld [smem:$0x3FA9]  }
0x2c: {  	s7 =	sld [smem:$0x3FAA]  }
0x2d: {  	s3 =	simm.s32 $0x108;
	s8 =	sld [smem:$0x3FAB]  }
0x2e: {  	s3 =	simm.s32 @!p0 $0x1082;
	s9 =	sld [smem:$0x3FAC]  }
0x2f: {  	lr =	sadd.s32 s0, s3;
	s0 =	sld [smem:$0x3FA3]  }
0x30: {  	s3 =	sld [smem:$0x3FA6]  }
0x31: {  	[smem:$0x3FAF] =	sst s10  }
0x32: {  	s10 =	sld [smem:$0x3FAD];
	_ =	sdelay $0x3  }
0x33: {  	p0 =	seq.s32 s10, $0x1;
	s10 =	sld [smem:$0x3FAF];
	_ =	sdelay $0x3  }
0x34: {  	[smem:$0x3FAF] =	sst s10  }
0x35: {  	s10 =	sld [smem:$0x3FAE];
	_ =	sdelay $0x3  }
0x36: {  	p1 =	seq.s32 s10, $0x1;
	s10 =	sld [smem:$0x3FAF];
	_ =	sdelay $0x3  }
0x37: {  	[smem:$0x3FAF] =	sst s10  }
0x38: {  	s10 =	sld [smem:$0x3FB0]  }
0x39: {  	_ = 	snop;
	(pc) =	sbr.ind lr, $3  }
0x3a: {  	_ = 	snop  }
0x3b: {  	_ = 	snop  }
0x3c: {  	p2 =	seq.s32 s10, $0x1;
	s10 =	sld [smem:$0x3FAF]  }
0x3d: {  	_ =	shalt  }
0x3e: {  	_ =	shalt  }
0x3f: {  	_ =	shalt  }
0x40: {  	_ =	shalt  }
0x41: {  	_ =	shalt  }
0x42: {  	_ =	shalt  }
0x43: {  	_ =	shalt  }
0x44: {  	_ =	shalt  }
0x45: {  	_ =	shalt  }
0x46: {  	_ =	shalt  }
0x47: {  	_ =	shalt  }
0x48: {  	_ =	shalt  }
0x49: {  	_ =	shalt  }
0x4a: {  	_ =	shalt  }
0x4b: {  	_ =	shalt  }
0x4c: {  	_ =	shalt  }
0x4d: {  	_ =	shalt  }
0x4e: {  	_ =	shalt  }
0x4f: {  	_ =	shalt  }
0x50: {  	_ =	shalt  }
0x51: {  	_ =	shalt  }
0x52: {  	_ =	shalt  }
0x53: {  	_ =	shalt  }
0x54: {  	_ =	shalt  }
0x55: {  	_ =	shalt  }
0x56: {  	_ =	shalt  }
0x57: {  	_ =	shalt  }
0x58: {  	_ =	shalt  }
0x59: {  	_ =	shalt  }
0x5a: {  	_ =	shalt  }
0x5b: {  	_ =	shalt  }
0x5c: {  	_ =	shalt  }
0x5d: {  	_ =	shalt  }
0x5e: {  	_ =	shalt  }
0x5f: {  	_ =	shalt  }
0x60: {  	_ =	shalt  }
0x61: {  	_ =	shalt  }
0x62: {  	_ =	shalt  }
0x63: {  	_ =	shalt  }
0x64: {  	_ =	shalt  }
0x65: {  	_ =	shalt  }
0x66: {  	_ =	shalt  }
0x67: {  	_ =	shalt  }
0x68: {  	_ =	shalt  }
0x69: {  	_ =	shalt  }
0x6a: {  	_ =	shalt  }
0x6b: {  	_ =	shalt  }
0x6c: {  	_ =	shalt  }
0x6d: {  	_ =	shalt  }
0x6e: {  	_ =	shalt  }
0x6f: {  	_ =	shalt  }
0x70: {  	_ =	shalt  }
0x71: {  	_ =	shalt  }
0x72: {  	_ =	shalt  }
0x73: {  	_ =	shalt  }
0x74: {  	_ =	shalt  }
0x75: {  	_ =	shalt  }
0x76: {  	_ =	shalt  }
0x77: {  	_ =	shalt  }
0x78: {  	_ =	shalt  }
0x79: {  	_ =	shalt  }
0x7a: {  	_ =	shalt  }
0x7b: {  	_ =	shalt  }
0x7c: {  	_ =	shalt  }
0x7d: {  	_ =	shalt  }
0x7e: {  	_ =	shalt  }
0x7f: {  	_ =	shalt  }
0x80: {  	_ =	shalt  }
0x81: {  	_ =	shalt  }
0x82: {  	_ =	shalt  }
0x83: {  	_ =	shalt  }
0x84: {  	_ =	shalt  }
0x85: {  	_ =	shalt  }
0x86: {  	_ =	shalt  }
0x87: {  	_ =	shalt  }
.Lfunc_end0:
.L_simem_size_0:
called_computation.1_lowered:
.L_overlay_start_0:
0x88: {  	s2 =	sld [smem:$0x3FD9]  }
0x89: {  	s3 =	sld [smem:$0x3FFE];
	_ =	sdelay $0x1  }
0x8a: {  	s1 =	srdreg.scid  }
0x8b: {  	s0 =	sand.u32 $0x1, s1  }
0x8c: {  	s16 =	sshll.u32 s0, $0xA;
	s2 =	sadd.s32 s3, s2  }
0x8d: {  	s2 =	sadd.s32 s2, s16  }
0x8e: {  	[smem:$0x3FBB] =	sst s2  }
0x8f: {  	_ = 	snop  }
0x90: {  	(tm) =	ssettm $0x1  }
0x91: {  	s17 =	sld [smem:$0x3FFB];
	_ =	sdelay $0x3  }
0x92: {  	_ =	strace s17  }
0x93: {  	s2 =	sld [smem:$0x3FFC];
	_ =	sdelay $0x3  }
0x94: {  	_ =	strace s2  }
0x95: {  	s2 =	sld [smem:$0x3FFD];
	_ =	sdelay $0x3  }
0x96: {  	_ =	strace s2  }
0x97: {  	_ =	strace $0x8FFFFFFF  }
0x98: {  	s18 =	sld [smem:$0x3FDB];
	_ =	sdelay $0x1  }
0x99: {  	s19 =	simm.s32 $_scs_section_size  }
0x9a: {  	s4 =	simm.s32 $_size__tile_overlayer_lowered;
	s5 =	simm.s32 $_tile_overlayer_lowered  }
0x9b: {  	s22 =	simm.s32 $0x1BFF;
	s21 =	sshll.u32 s5, $0x1;
	s2 =	sadd.s32 s19, s18  }
0x9c: {  	s6 =	simm.s32 $0x0;
	s20 =	sshll.u32 s4, $0x1;
	s4 =	sadd.s32 s21, s2  }
0x9d: {  	[timem:s6], [sflag:s22] =	dma.local [hbm:s4], s20  }
0x9e: {  	_ =	swait.ge [sflag:s22], s20  }
0x9f: {  	s3 =	ssub.s32 $0x0, s20;
	[sflag:s22] =	ssyncset.done $0x0  }
0xa0: {  	[sflag:s22] =	ssyncadd.s32 s3;
	_ =	sdelay $0x1  }
0xa1: {  	s23 =	simm.s32 $0x1B8B  }
0xa2: {  	_ =	swait.ge [sflag:s23], $0x1  }
0xa3: {  	[sflag:s23] =	ssyncset.done $0x0  }
0xa4: {  	s25 =	simm.s32 $0x1B8E;
	s24 =	sld [smem:$0x3FFE];
	[sflag:s23] =	ssyncadd.s32 $0xFFFFFFFF  }
0xa5: {  	s26 =	simm.s32 $execute0_lowered;
	[smem:$0x3FD2] =	sst s25  }
0xa6: {  	s4 =	sshll.u32 s26, $0x1;
	_ =	strace $0x80000049;
	[dreg:$0x1] =	wrdreg $0xFFFFFFFF  }
0xa7: {  	s28 =	simm.s32 $_size_execute0_lowered;
	s2 =	sadd.s32 s2, s4;
	[dreg:$0x0] =	wrdreg $0x0  }
0xa8: {  	s4 =	sshll.u32 s28, $0x1;
	[dreg:$0x2] =	wrdreg s2  }
0xa9: {  	[dreg:$0x3] =	wrdreg s4  }
0xaa: {  	[dreg:$0x4] =	wrdreg $0xC0  }
0xab: {  	_ =	task [dreg:s6], $0x5FFFF  }
0xac: {  	[dreg:$0x1] =	wrdreg $0xFFFFFFFF  }
0xad: {  	[dreg:$0x0] =	wrdreg $0x60  }
0xae: {  	[dreg:$0x2] =	wrdreg s24  }
0xaf: {  	[dreg:$0x3] =	wrdreg $0xBC000  }
0xb0: {  	[dreg:$0x4] =	wrdreg $0x9  }
0xb1: {  	_ =	task.clear_ibuf [dreg:s6], $0x5FFFF;
	_ =	strace $0x90000049  }
0xb2: {  	s29 =	simm.s32 $0x9;
	_ =	strace $0x8000004B  }
0xb3: {  	_ =	swait.ge [sflag:s29], $0x1  }
0xb4: {  	[sflag:s29] =	ssyncadd.s32 $0xFFFFFFFF  }
0xb5: {  	_ =	strace $0x9000004B  }
0xb6: {  	_ =	sfence  }
0xb7: {  	s30 =	sld [smem:$0x0];
	_ =	sdelay $0x2  }
0xb8: {  	s31 =	sshll.u32 s1, $0xD;
	s1 =	sshrl.u32 s1, $0x2  }
0xb9: {  	s3 =	sand.u32 $0x4000, s31;
	s1 =	sadd.s32 s1, s30  }
0xba: {  	s0 =	sor.u32 s3, s0;
	s1 =	sshll.u32 s1, $0x11  }
0xbb: {  	s0 =	sor.u32 s1, s0  }
0xbc: {  	s0 =	sadd.s32 $0x8F2B, s0  }
0xbd: {  	[sflag:s0] =	ssyncadd.remote.s32 $0x1  }
0xbe: {  	_ =	sfence.sel $0xFFFF  }
0xbf: {  	[dreg:$0x0] =	wrdreg $0xFFFFFFFF;
	(pc) =	sbr.abs _section_cstart, $3  }
0xc0: {  	[dreg:$0x1] =	wrdreg $0xFFFFFFFF  }
0xc1: {  	_ =	task.clear_ibuf [dreg:s6], $0x2FFFF;
	_ =	strace $0x9FFFFFFF  }
0xc2: {  	(tm) =	ssettm $0x7FFFFFFF  }
0xc3: {  	_ =	shalt  }
tec
execute0_lowered:
.L_overlay_start_1:
0x0: {  	(tag) =	ssettag $0x1  }
0x1: {  	s0 =	srdreg.scid;
	s6 =	rddreg [dreg:$0x0]  }
0x2: {  	s2 =	rddreg [dreg:$0x1];
	s3 =	simm.s32 $0x0;
	s14 =	simm.s32 $0x1  }
0x3: {  	s15 =	simm.s32 $0x2;
	s16 =	simm.s32 $0x3;
	s17 =	simm.s32 $0x7D  }
0x4: {  	s18 =	simm.s32 $0x3C00;
	s19 =	simm.s32 $0x7C00;
	s20 =	simm.s32 $0x1380  }
0x5: {  	s21 =	simm.s32 $0x2700;
	s22 =	simm.s32 $0x2780;
	s23 =	simm.s32 $0x3B00  }
0x6: {  	s24 =	simm.s32 $0x3B80;
	s5 =	sand.u32 $0x1, s0;
	s0 =	stileid.u32  }
0x7: {  	s26 =	simm.s32 $0x0;
	[smem:$0x7FF] =	sst s3;
	s8 =	smul.u32 $0x13C000, s5  }
0x8: {  	s4 =	sadd.s32 $0x16000, s6;
	s1 =	sshll.u32 s5, $0x4;
	s9 =	smul.u32 $0x13C00, s0  }
0x9: {  	_ =	strace $0x8000004A;
	s29 =	ssub.s32 $0x2, s5;
	s10 =	smul.u32 $0x4F000, s0  }
0xa: {  	s5 =	sadd.s32 $0x3D200, s6;
	s25 =	sshll.u32 s0, $0x6;
	s1 =	sor.u32 s0, s1  }
0xb: {  	s30 =	sshrl.u32 s29, $0x1;
	s7 =	smul.u32 $0x500, s1;
	s31 =	sshrl.u32 s10, $0x2  }
0xc: {  	s28 =	sadd.s32 s9, s8;
	s9 =	ssub.s32 s29, s30;
	s13 =	sadd.s32 s31, s2  }
0xd: {  	s9 =	smax.u32 s9, $0x1;
	s11 =	sadd.s32 s7, s6;
	s7 =	sshrl.u32 s28, $0x3  }
0xe: {  	s13 =	sshrl.u32 s13, $0x3;
	s12 =	sadd.s32 s7, s6;
	s6 =	sadd.s32 $0xC000, s11  }
0xf: {  	s7 =	sor.u32 $0x1C02, s25;
	s10 =	sadd.s32 $0x2000, s11;
	s11 =	sadd.s32 $0x2280, s11  }
0x10: {  	s25 =	sor.u32 $0x1C03, s25;
	s8 =	sadd.s32 $0x3FA00, s12;
	s12 =	simm.s32 $0x1400  }
.LBB2_1:
0x11: {  	[tilespmem:s12], [sflag:$0x1] =	stream.linear.gather [hbm4b:s6+s3], $0x2800, $0x38;
	[tilespmem:$0x1F800] =	vst v63  }
0x12: {  	[spmem:s13], [sflag:s7] =	dma.local [hbm:s5], $0x2780  }
0x13: {  	_ =	swait.ge [sflag:s14], $0x2800  }
0x14: {  	[sflag:s14] =	ssyncset.done $0x0  }
0x15: {  	[sflag:s14] =	ssyncadd.s32 $0xFFFFD800  }
0x16: {  	_ =	swait.ge [sflag:s15], $0x2780  }
0x17: {  	[sflag:s15] =	ssyncset.done $0x0  }
0x18: {  	[sflag:s15] =	ssyncadd.s32 $0xFFFFD880  }
0x19: {  	[bflag:$0x0] =	sbarrier.arrive $0xFFFF  }
0x1a: {  	[tilespmem:s3], [sflag:$0x3] =	stream.linear.gather [hbm4b:s10+s3], $0x1400, $0x38;
	[tilespmem:$0x1F800] =	vst v63  }
0x1b: {  	_ =	swait.ge [sflag:s16], $0x1400  }
0x1c: {  	[sflag:s16] =	ssyncset.done $0x0  }
0x1d: {  	[sflag:s16] =	ssyncadd.s32 $0xFFFFEC00  }
0x1e: {  	[tilespmem:s18], [sflag:$0x1] =	stream.indirect.gather [hbm4b:s4+s17], $0x80, s3, s17, $0xb8;
	[tilespmem:$0x1F800] =	vst v63  }
0x1f: {  	s28 =	simm.s32 $0x80  }
0x20: {  	[tilespmem:s19], [sflag:$0x2] =	stream.indirect.gather [hbm4b:s4+s17], $0x80, s28, s17, $0xb8;
	[tilespmem:$0x1F800] =	vst v63  }
0x21: {  	_ =	swait.ge [sflag:s14], $0x3E80  }
0x22: {  	[sflag:s14] =	ssyncset.done $0x0  }
0x23: {  	s28 =	simm.s32 $0x1400;
	[sflag:s14] =	ssyncadd.s32 $0xFFFFC180  }
0x24: {  	[spmem:s2] =	stream.indirect.scatter.add.f32 [tilespmem:s18], [sflag:$0x3], $0x80, s28, s17, $0xb8;
	[tilespmem:$0x1F800] =	vst v63  }
0x25: {  	_ =	swait.ge [sflag:s16], $0x3E80  }
0x26: {  	[sflag:s16] =	ssyncset.done $0x0  }
0x27: {  	s28 =	simm.s32 $0x100;
	[sflag:s16] =	ssyncadd.s32 $0xFFFFC180  }
0x28: {  	[tilespmem:s18], [sflag:$0x1] =	stream.indirect.gather [hbm4b:s4+s17], $0x80, s28, s17, $0xb8;
	[tilespmem:$0x1F800] =	vst v63  }
0x29: {  	_ =	swait.ge [sflag:s15], $0x3E80  }
0x2a: {  	[sflag:s15] =	ssyncset.done $0x0  }
0x2b: {  	s28 =	simm.s32 $0x1480;
	[sflag:s15] =	ssyncadd.s32 $0xFFFFC180  }
0x2c: {  	[spmem:s2] =	stream.indirect.scatter.add.f32 [tilespmem:s19], [sflag:$0x3], $0x80, s28, s17, $0xb8;
	[tilespmem:$0x1F800] =	vst v63  }
0x2d: {  	_ =	swait.ge [sflag:s16], $0x3E80  }
0x2e: {  	s29 =	simm.s32 $0x800;
	s28 =	simm.s32 $0x100;
	[sflag:s16] =	ssyncset.done $0x0  }
.LBB2_2:
0x2f: {  	s30 =	sadd.s32 $0x80, s28  }
0x30: {  	[sflag:s16] =	ssyncadd.s32 $0xFFFFC180;
	s31 =	smov.u32 s29;
	s1 =	sadd.s32 $0x400, s29  }
0x31: {  	[tilespmem:s19], [sflag:$0x2] =	stream.indirect.gather [hbm4b:s4+s17], $0x80, s30, s17, $0xb8;
	[tilespmem:$0x1F800] =	vst v63  }
0x32: {  	p0 =	sne.s32 s29, $0x4800;
	_ =	swait.ge [sflag:s14], $0x3E80  }
0x33: {  	[sflag:s14] =	ssyncset.done $0x0  }
0x34: {  	s29 =	sadd.s32 $0x1400, s28;
	[sflag:s14] =	ssyncadd.s32 $0xFFFFC180  }
0x35: {  	[spmem:s2] =	stream.indirect.scatter.add.f32 [tilespmem:s18], [sflag:$0x3], $0x80, s29, s17, $0xb8;
	[tilespmem:$0x1F800] =	vst v63  }
0x36: {  	_ =	swait.ge [sflag:s16], $0x3E80  }
0x37: {  	[sflag:s16] =	ssyncset.done $0x0  }
0x38: {  	s29 =	sadd.s32 $0x100, s28;
	[sflag:s16] =	ssyncadd.s32 $0xFFFFC180  }
0x39: {  	[tilespmem:s18], [sflag:$0x1] =	stream.indirect.gather [hbm4b:s4+s17], $0x80, s29, s17, $0xb8;
	[tilespmem:$0x1F800] =	vst v63  }
0x3a: {  	_ =	swait.ge [sflag:s15], $0x3E80  }
.Ltmp0:
0x3b: {  	[sflag:s15] =	ssyncset.done $0x0;
	(pc) =	sbr.rel @p0 .LBB2_2-.Ltmp0, $4  }
0x3c: {  	s28 =	sadd.s32 $0x1480, s28;
	[sflag:s15] =	ssyncadd.s32 $0xFFFFC180  }
0x3d: {  	[spmem:s2] =	stream.indirect.scatter.add.f32 [tilespmem:s19], [sflag:$0x3], $0x80, s28, s17, $0xb8;
	[tilespmem:$0x1F800] =	vst v63  }
0x3e: {  	_ =	swait.ge [sflag:s16], $0x3E80  }
0x3f: {  	s29 =	smov.u32 s1;
	s28 =	sshra.s32 s31, $0x2;
	[sflag:s16] =	ssyncset.done $0x0  }
0x40: {  	s1 =	sadd.s32 $0x80, s28;
	[sflag:s16] =	ssyncadd.s32 $0xFFFFC180  }
0x41: {  	[tilespmem:s19], [sflag:$0x2] =	stream.indirect.gather [hbm4b:s4+s17], $0x80, s1, s17, $0xb8;
	[tilespmem:$0x1F800] =	vst v63  }
0x42: {  	_ =	swait.ge [sflag:s14], $0x3E80  }
0x43: {  	[sflag:s14] =	ssyncset.done $0x0  }
0x44: {  	s31 =	sadd.s32 $0x1400, s28;
	[sflag:s14] =	ssyncadd.s32 $0xFFFFC180  }
0x45: {  	[spmem:s2] =	stream.indirect.scatter.add.f32 [tilespmem:s18], [sflag:$0x3], $0x80, s31, s17, $0xb8;
	[tilespmem:$0x1F800] =	vst v63  }
0x46: {  	_ =	swait.ge [sflag:s16], $0x3E80  }
0x47: {  	[sflag:s16] =	ssyncset.done $0x0  }
0x48: {  	s30 =	sadd.s32 $0x100, s28;
	[sflag:s16] =	ssyncadd.s32 $0xFFFFC180  }
0x49: {  	[tilespmem:s18], [sflag:$0x1] =	stream.indirect.gather [hbm4b:s4+s17], $0x80, s30, s17, $0xb8;
	[tilespmem:$0x1F800] =	vst v63  }
0x4a: {  	_ =	swait.ge [sflag:s15], $0x3E80  }
0x4b: {  	[sflag:s15] =	ssyncset.done $0x0  }
0x4c: {  	s31 =	sadd.s32 $0x1480, s28;
	[sflag:s15] =	ssyncadd.s32 $0xFFFFC180  }
0x4d: {  	[spmem:s2] =	stream.indirect.scatter.add.f32 [tilespmem:s19], [sflag:$0x3], $0x80, s31, s17, $0xb8;
	[tilespmem:$0x1F800] =	vst v63  }
0x4e: {  	_ =	swait.ge [sflag:s16], $0x3E80  }
0x4f: {  	[sflag:s16] =	ssyncset.done $0x0  }
0x50: {  	[sflag:s16] =	ssyncadd.s32 $0xFFFFC180  }
0x51: {  	[tilespmem:s19], [sflag:$0x2] =	stream.indirect.gather [hbm4b:s4+s17], $0x80, s20, s17, $0xb8;
	[tilespmem:$0x1F800] =	vst v63  }
0x52: {  	_ =	swait.ge [sflag:s14], $0x3E80  }
0x53: {  	[sflag:s14] =	ssyncset.done $0x0  }
0x54: {  	[sflag:s14] =	ssyncadd.s32 $0xFFFFC180  }
0x55: {  	[spmem:s2] =	stream.indirect.scatter.add.f32 [tilespmem:s18], [sflag:$0x3], $0x80, s21, s17, $0xb8;
	[tilespmem:$0x1F800] =	vst v63  }
0x56: {  	_ =	swait.ge [sflag:s16], $0x3E80  }
0x57: {  	[sflag:s16] =	ssyncset.done $0x0  }
0x58: {  	[sflag:s16] =	ssyncadd.s32 $0xFFFFC180  }
0x59: {  	_ =	swait.ge [sflag:s15], $0x3E80  }
0x5a: {  	[sflag:s15] =	ssyncset.done $0x0  }
0x5b: {  	[sflag:s15] =	ssyncadd.s32 $0xFFFFC180  }
0x5c: {  	[spmem:s2] =	stream.indirect.scatter.add.f32 [tilespmem:s19], [sflag:$0x3], $0x80, s22, s17, $0xb8;
	[tilespmem:$0x1F800] =	vst v63  }
0x5d: {  	_ =	swait.ge [sflag:s16], $0x3E80  }
0x5e: {  	[sflag:s16] =	ssyncset.done $0x0  }
0x5f: {  	[sflag:s16] =	ssyncadd.s32 $0xFFFFC180  }
0x60: {  	[tilespmem:s3], [sflag:$0x3] =	stream.linear.gather [hbm4b:s11+s3], $0x1400, $0x38;
	[tilespmem:$0x1F800] =	vst v63  }
0x61: {  	_ =	swait.ge [sflag:s16], $0x1400  }
0x62: {  	[sflag:s16] =	ssyncset.done $0x0  }
0x63: {  	[sflag:s16] =	ssyncadd.s32 $0xFFFFEC00  }
0x64: {  	[tilespmem:s18], [sflag:$0x1] =	stream.indirect.gather [hbm4b:s4+s17], $0x80, s3, s17, $0xb8;
	[tilespmem:$0x1F800] =	vst v63  }
0x65: {  	s30 =	simm.s32 $0x80  }
0x66: {  	[tilespmem:s19], [sflag:$0x2] =	stream.indirect.gather [hbm4b:s4+s17], $0x80, s30, s17, $0xb8;
	[tilespmem:$0x1F800] =	vst v63  }
0x67: {  	_ =	swait.ge [sflag:s14], $0x3E80  }
0x68: {  	[sflag:s14] =	ssyncset.done $0x0  }
0x69: {  	s31 =	simm.s32 $0x2800;
	[sflag:s14] =	ssyncadd.s32 $0xFFFFC180  }
0x6a: {  	[spmem:s2] =	stream.indirect.scatter.add.f32 [tilespmem:s18], [sflag:$0x3], $0x80, s31, s17, $0xb8;
	[tilespmem:$0x1F800] =	vst v63  }
0x6b: {  	_ =	swait.ge [sflag:s16], $0x3E80  }
0x6c: {  	[sflag:s16] =	ssyncset.done $0x0  }
0x6d: {  	s30 =	simm.s32 $0x100;
	[sflag:s16] =	ssyncadd.s32 $0xFFFFC180  }
0x6e: {  	[tilespmem:s18], [sflag:$0x1] =	stream.indirect.gather [hbm4b:s4+s17], $0x80, s30, s17, $0xb8;
	[tilespmem:$0x1F800] =	vst v63  }
0x6f: {  	_ =	swait.ge [sflag:s15], $0x3E80  }
0x70: {  	[sflag:s15] =	ssyncset.done $0x0  }
0x71: {  	s31 =	simm.s32 $0x2880;
	[sflag:s15] =	ssyncadd.s32 $0xFFFFC180  }
0x72: {  	[spmem:s2] =	stream.indirect.scatter.add.f32 [tilespmem:s19], [sflag:$0x3], $0x80, s31, s17, $0xb8;
	[tilespmem:$0x1F800] =	vst v63  }
0x73: {  	_ =	swait.ge [sflag:s16], $0x3E80  }
0x74: {  	s29 =	simm.s32 $0xFFFFBC00;
	s28 =	simm.s32 $0xFFFFEE00;
	[sflag:s16] =	ssyncset.done $0x0  }
.LBB2_4:
0x75: {  	s1 =	sadd.s32 $0x1380, s28  }
0x76: {  	[sflag:s16] =	ssyncadd.s32 $0xFFFFC180;
	s30 =	smov.u32 s29;
	s31 =	sadd.s32 $0x400, s29  }
0x77: {  	[tilespmem:s19], [sflag:$0x2] =	stream.indirect.gather [hbm4b:s4+s17], $0x80, s1, s17, $0xb8;
	[tilespmem:$0x1F800] =	vst v63  }
0x78: {  	p0 =	sne.s32 s29, $0xFFFFFC00;
	_ =	swait.ge [sflag:s14], $0x3E80  }
0x79: {  	[sflag:s14] =	ssyncset.done $0x0  }
0x7a: {  	s1 =	sadd.s32 $0x3B00, s28;
	[sflag:s14] =	ssyncadd.s32 $0xFFFFC180  }
0x7b: {  	[spmem:s2] =	stream.indirect.scatter.add.f32 [tilespmem:s18], [sflag:$0x3], $0x80, s1, s17, $0xb8;
	[tilespmem:$0x1F800] =	vst v63  }
0x7c: {  	_ =	swait.ge [sflag:s16], $0x3E80  }
0x7d: {  	[sflag:s16] =	ssyncset.done $0x0  }
0x7e: {  	s1 =	sadd.s32 $0x1400, s28;
	[sflag:s16] =	ssyncadd.s32 $0xFFFFC180  }
0x7f: {  	[tilespmem:s18], [sflag:$0x1] =	stream.indirect.gather [hbm4b:s4+s17], $0x80, s1, s17, $0xb8;
	[tilespmem:$0x1F800] =	vst v63  }
0x80: {  	_ =	swait.ge [sflag:s15], $0x3E80  }
.Ltmp1:
0x81: {  	[sflag:s15] =	ssyncset.done $0x0;
	(pc) =	sbr.rel @p0 .LBB2_4-.Ltmp1, $4  }
0x82: {  	s1 =	sadd.s32 $0x3B80, s28;
	[sflag:s15] =	ssyncadd.s32 $0xFFFFC180  }
0x83: {  	[spmem:s2] =	stream.indirect.scatter.add.f32 [tilespmem:s19], [sflag:$0x3], $0x80, s1, s17, $0xb8;
	[tilespmem:$0x1F800] =	vst v63  }
0x84: {  	_ =	swait.ge [sflag:s16], $0x3E80  }
0x85: {  	s29 =	smov.u32 s31;
	s28 =	sshra.s32 s30, $0x2;
	[sflag:s16] =	ssyncset.done $0x0  }
0x86: {  	s1 =	sadd.s32 $0x1380, s28;
	[sflag:s16] =	ssyncadd.s32 $0xFFFFC180  }
0x87: {  	[tilespmem:s19], [sflag:$0x2] =	stream.indirect.gather [hbm4b:s4+s17], $0x80, s1, s17, $0xb8;
	[tilespmem:$0x1F800] =	vst v63  }
0x88: {  	_ =	swait.ge [sflag:s14], $0x3E80  }
0x89: {  	[sflag:s14] =	ssyncset.done $0x0  }
0x8a: {  	s29 =	sadd.s32 $0x3B00, s28;
	[sflag:s14] =	ssyncadd.s32 $0xFFFFC180  }
0x8b: {  	[spmem:s2] =	stream.indirect.scatter.add.f32 [tilespmem:s18], [sflag:$0x3], $0x80, s29, s17, $0xb8;
	[tilespmem:$0x1F800] =	vst v63  }
0x8c: {  	_ =	swait.ge [sflag:s16], $0x3E80  }
0x8d: {  	[sflag:s16] =	ssyncset.done $0x0  }
0x8e: {  	s30 =	sadd.s32 $0x1400, s28;
	[sflag:s16] =	ssyncadd.s32 $0xFFFFC180  }
0x8f: {  	[tilespmem:s18], [sflag:$0x1] =	stream.indirect.gather [hbm4b:s4+s17], $0x80, s30, s17, $0xb8;
	[tilespmem:$0x1F800] =	vst v63  }
0x90: {  	_ =	swait.ge [sflag:s15], $0x3E80  }
0x91: {  	[sflag:s15] =	ssyncset.done $0x0  }
0x92: {  	s31 =	sadd.s32 $0x3B80, s28;
	[sflag:s15] =	ssyncadd.s32 $0xFFFFC180  }
0x93: {  	[spmem:s2] =	stream.indirect.scatter.add.f32 [tilespmem:s19], [sflag:$0x3], $0x80, s31, s17, $0xb8;
	[tilespmem:$0x1F800] =	vst v63  }
0x94: {  	_ =	swait.ge [sflag:s16], $0x3E80  }
0x95: {  	[sflag:s16] =	ssyncset.done $0x0  }
0x96: {  	[sflag:s16] =	ssyncadd.s32 $0xFFFFC180  }
0x97: {  	[tilespmem:s19], [sflag:$0x2] =	stream.indirect.gather [hbm4b:s4+s17], $0x80, s20, s17, $0xb8;
	[tilespmem:$0x1F800] =	vst v63  }
0x98: {  	_ =	swait.ge [sflag:s14], $0x3E80  }
0x99: {  	[sflag:s14] =	ssyncset.done $0x0  }
0x9a: {  	[sflag:s14] =	ssyncadd.s32 $0xFFFFC180  }
0x9b: {  	[spmem:s2] =	stream.indirect.scatter.add.f32 [tilespmem:s18], [sflag:$0x3], $0x80, s23, s17, $0xb8;
	[tilespmem:$0x1F800] =	vst v63  }
0x9c: {  	_ =	swait.ge [sflag:s16], $0x3E80  }
0x9d: {  	[sflag:s16] =	ssyncset.done $0x0  }
0x9e: {  	[sflag:s16] =	ssyncadd.s32 $0xFFFFC180  }
0x9f: {  	_ =	swait.ge [sflag:s15], $0x3E80  }
0xa0: {  	[sflag:s15] =	ssyncset.done $0x0  }
0xa1: {  	[sflag:s15] =	ssyncadd.s32 $0xFFFFC180  }
0xa2: {  	[spmem:s2] =	stream.indirect.scatter.add.f32 [tilespmem:s19], [sflag:$0x3], $0x80, s24, s17, $0xb8;
	[tilespmem:$0x1F800] =	vst v63  }
0xa3: {  	_ =	swait.ge [sflag:s16], $0x3E80  }
0xa4: {  	s26 =	sadd.s32 $0x1, s26;
	[sflag:s16] =	ssyncset.done $0x0  }
0xa5: {  	p0 =	sne.s32 s26, s9;
	[sflag:s16] =	ssyncadd.s32 $0xFFFFC180  }
.Ltmp2:
0xa6: {  	[bflag:$0x0] =	sbarrier.arrive $0xFFFF;
	(pc) =	sbr.rel @p0 .LBB2_1-.Ltmp2, $4  }
0xa7: {  	[hbm:s8], [sflag:s25] =	dma.local [spmem:s13], $0x2780  }
0xa8: {  	_ =	swait.ge [sflag:s16], $0x2780  }
0xa9: {  	[sflag:s16] =	ssyncset.done $0x0  }
0xaa: {  	[sflag:s16] =	ssyncadd.s32 $0xFFFFD880  }
0xab: {  	_ =	sfence.sel $0x180000  }
0xac: {  	[bflag:$0x0] =	sbarrier.arrive $0xFFFF  }
0xad: {  	_ =	strace $0x9000004A  }
0xae: {  	[bflag:$0x2] =	sbarrier.arrive $0xFFFF  }
0xaf: {  	p0 =	sne.s32 s0, $0x0;
	s0 =	rddreg [dreg:$0x2]  }
0xb0: {  	s0 =	sadd.s32 @!p0 $0x100000, s0  }
0xb1: {  	[sflag:s0] =	ssyncadd.tile.s32 @!p0 $0x1;
	_ =	shalt  }
.Lfunc_end2:
_tile_overlayer_lowered:
.L_overlay_start_2:
0xb2: {  	(tag) =	ssettag $0x2  }
0xb3: {  	s0 =	rddreg [dreg:$0x0];
	s2 =	stileid.u32  }
0xb4: {  	s1 =	rddreg [dreg:$0x1];
	p0 =	sne.s32 s2, $0x0  }
0xb5: {  	s3 =	rddreg [dreg:$0x2];
	[bflag:$0x3] =	sbarrier.arrive $0xFFFF;
	s2 =	simm.s32 @!p0 $0x1C03  }
0xb6: {  	[timem:s3], [sflag:s2] =	dma.local @!p0 [hbm:s0], s1  }
0xb7: {  	s0 =	simm.s32 @!p0 $0x3  }
0xb8: {  	_ =	swait.ge @!p0 [sflag:s0], s1  }
0xb9: {  	s1 =	ssub.s32 @!p0 $0x0, s1;
	[sflag:s0] =	ssyncset.done @!p0 $0x0  }
0xba: {  	[sflag:s0] =	ssyncadd.s32 @!p0 s1  }
0xbb: {  	[bflag:$0x3] =	sbarrier.arrive $0xFFFF  }
0xbc: {  	_ =	shalt  }

// kernel: kernel.7.cloned.1.call-start
scs
__scs_entry_jumppad:
0x0: {  	(pc) =	sbr.rel $0x88, $3  }
0x1: {  	(tag) =	ssettag $0x0;
	lr =	simm.s32 $0x1  }
0x2: {  	[smem:$0x3F94] =	sst lr;
	_ =	strace $0xD0000000  }
0x3: {  	_ = 	snop  }
0x4: {  	_ = 	snop  }
0x5: {  	_ = 	snop  }
0x6: {  	_ = 	snop  }
0x7: {  	_ = 	snop  }
__scs_overlays_trampoline_lowered:
0x8: {  	[smem:$0x3FA3] =	sst s0  }
0x9: {  	[smem:$0x3FA4] =	sst s1  }
0xa: {  	[smem:$0x3FA5] =	sst s2  }
0xb: {  	[smem:$0x3FA6] =	sst s3  }
0xc: {  	[smem:$0x3FA7] =	sst s4  }
0xd: {  	[smem:$0x3FA8] =	sst s5  }
0xe: {  	[smem:$0x3FA9] =	sst s6  }
0xf: {  	[smem:$0x3FAA] =	sst s7  }
0x10: {  	[smem:$0x3FAB] =	sst s8  }
0x11: {  	[smem:$0x3FAC] =	sst s9;
	s0 =	simm.s32 @!p0 $0x0  }
0x12: {  	s1 =	sld [smem:$0x3F92];
	s0 =	simm.s32 @p0 $0x1  }
0x13: {  	[smem:$0x3FAD] =	sst s0;
	s0 =	simm.s32 @!p1 $0x0  }
0x14: {  	s2 =	sld [smem:$0x3F91];
	s0 =	simm.s32 @p1 $0x1  }
0x15: {  	[smem:$0x3FAE] =	sst s0;
	s0 =	simm.s32 @!p2 $0x0  }
0x16: {  	s3 =	sld [smem:$0x3FDB];
	s0 =	simm.s32 @p2 $0x1  }
0x17: {  	s4 =	simm.s32 $0x1BF5;
	[smem:$0x3FB0] =	sst s0  }
0x18: {  	s0 =	sld [smem:$0x3F93];
	_ =	swait.ge [sflag:s4], $0x0  }
0x19: {  	s7 =	sld [smem:$0x3F94]  }
0x1a: {  	s8 =	sadd.s32 $0xFFFFE003, lr  }
0x1b: {  	s9 =	sadd.s32 $0xFFFFFEF7, lr;
	s5 =	simm.s32 $0xFFFFFFFF;
	p2 =	slt.u32 s8, $0xFFFFF086  }
0x1c: {  	p1 =	slt.u32 s9, $0xF7A;
	s5 =	simm.s32 @!p2 $0x0  }
0x1d: {  	s5 =	simm.s32 @p1 $0x1;
	p0 =	seq.s32 s7, s2  }
0x1e: {  	s7 =	smul.u32 @!p0 $0xF7A, s2;
	p2 =	seq.s32 @!p0 s5, $0x0  }
0x1f: {  	s9 =	smul.u32 $0xF7A, s1;
	s8 =	simm.s32 @!p0 $0x1BF5;
	p2 =	por !p2, p0  }
0x20: {  	[sflag:s8] =	ssyncset.s32 @!p0 $0xFFFFF086;
	s6 =	sadd.s32 @!p0 s3, s7;
	s7 =	simm.s32 @!p0 $0x108  }
0x21: {  	s3 =	sadd.s32 s3, s9;
	s6 =	sadd.s32 @!p0 $0x88, s6;
	s7 =	simm.s32 @p2 $0x1082  }
0x22: {  	[simem:s7], [sflag:s8] =	dma.local @!p0 [hbm:s6], $0xF7A  }
0x23: {  	s9 =	sor.u32 $0xD0000000, s2;
	s6 =	simm.s32 $0x108;
	_ =	swait.ge @!p0 [sflag:s8], $0x0  }
0x24: {  	s3 =	sadd.s32 $0x88, s3;
	s6 =	simm.s32 @!p1 $0x1082;
	[sflag:s4] =	ssyncset.s32 $0xFFFFF086  }
0x25: {  	[simem:s6], [sflag:s4] =	dma.local [hbm:s3], $0xF7A  }
0x26: {  	[smem:$0x3F94] =	sst s1;
	(tag) =	ssettag s2;
	_ =	strace s9  }
0x27: {  	s1 =	sld [smem:$0x3FA4]  }
0x28: {  	s2 =	sld [smem:$0x3FA5]  }
0x29: {  	s4 =	sld [smem:$0x3FA7]  }
0x2a: {  	p0 =	seq.s32 s5, $0x0;
	s5 =	sld [smem:$0x3FA8]  }
0x2b: {  	s6 =	sld [smem:$0x3FA9]  }
0x2c: {  	s7 =	sld [smem:$0x3FAA]  }
0x2d: {  	s3 =	simm.s32 $0x108;
	s8 =	sld [smem:$0x3FAB]  }
0x2e: {  	s3 =	simm.s32 @!p0 $0x1082;
	s9 =	sld [smem:$0x3FAC]  }
0x2f: {  	lr =	sadd.s32 s0, s3;
	s0 =	sld [smem:$0x3FA3]  }
0x30: {  	s3 =	sld [smem:$0x3FA6]  }
0x31: {  	[smem:$0x3FAF] =	sst s10  }
0x32: {  	s10 =	sld [smem:$0x3FAD];
	_ =	sdelay $0x3  }
0x33: {  	p0 =	seq.s32 s10, $0x1;
	s10 =	sld [smem:$0x3FAF];
	_ =	sdelay $0x3  }
0x34: {  	[smem:$0x3FAF] =	sst s10  }
0x35: {  	s10 =	sld [smem:$0x3FAE];
	_ =	sdelay $0x3  }
0x36: {  	p1 =	seq.s32 s10, $0x1;
	s10 =	sld [smem:$0x3FAF];
	_ =	sdelay $0x3  }
0x37: {  	[smem:$0x3FAF] =	sst s10  }
0x38: {  	s10 =	sld [smem:$0x3FB0]  }
0x39: {  	_ = 	snop;
	(pc) =	sbr.ind lr, $3  }
0x3a: {  	_ = 	snop  }
0x3b: {  	_ = 	snop  }
0x3c: {  	p2 =	seq.s32 s10, $0x1;
	s10 =	sld [smem:$0x3FAF]  }
0x3d: {  	_ =	shalt  }
0x3e: {  	_ =	shalt  }
0x3f: {  	_ =	shalt  }
0x40: {  	_ =	shalt  }
0x41: {  	_ =	shalt  }
0x42: {  	_ =	shalt  }
0x43: {  	_ =	shalt  }
0x44: {  	_ =	shalt  }
0x45: {  	_ =	shalt  }
0x46: {  	_ =	shalt  }
0x47: {  	_ =	shalt  }
0x48: {  	_ =	shalt  }
0x49: {  	_ =	shalt  }
0x4a: {  	_ =	shalt  }
0x4b: {  	_ =	shalt  }
0x4c: {  	_ =	shalt  }
0x4d: {  	_ =	shalt  }
0x4e: {  	_ =	shalt  }
0x4f: {  	_ =	shalt  }
0x50: {  	_ =	shalt  }
0x51: {  	_ =	shalt  }
0x52: {  	_ =	shalt  }
0x53: {  	_ =	shalt  }
0x54: {  	_ =	shalt  }
0x55: {  	_ =	shalt  }
0x56: {  	_ =	shalt  }
0x57: {  	_ =	shalt  }
0x58: {  	_ =	shalt  }
0x59: {  	_ =	shalt  }
0x5a: {  	_ =	shalt  }
0x5b: {  	_ =	shalt  }
0x5c: {  	_ =	shalt  }
0x5d: {  	_ =	shalt  }
0x5e: {  	_ =	shalt  }
0x5f: {  	_ =	shalt  }
0x60: {  	_ =	shalt  }
0x61: {  	_ =	shalt  }
0x62: {  	_ =	shalt  }
0x63: {  	_ =	shalt  }
0x64: {  	_ =	shalt  }
0x65: {  	_ =	shalt  }
0x66: {  	_ =	shalt  }
0x67: {  	_ =	shalt  }
0x68: {  	_ =	shalt  }
0x69: {  	_ =	shalt  }
0x6a: {  	_ =	shalt  }
0x6b: {  	_ =	shalt  }
0x6c: {  	_ =	shalt  }
0x6d: {  	_ =	shalt  }
0x6e: {  	_ =	shalt  }
0x6f: {  	_ =	shalt  }
0x70: {  	_ =	shalt  }
0x71: {  	_ =	shalt  }
0x72: {  	_ =	shalt  }
0x73: {  	_ =	shalt  }
0x74: {  	_ =	shalt  }
0x75: {  	_ =	shalt  }
0x76: {  	_ =	shalt  }
0x77: {  	_ =	shalt  }
0x78: {  	_ =	shalt  }
0x79: {  	_ =	shalt  }
0x7a: {  	_ =	shalt  }
0x7b: {  	_ =	shalt  }
0x7c: {  	_ =	shalt  }
0x7d: {  	_ =	shalt  }
0x7e: {  	_ =	shalt  }
0x7f: {  	_ =	shalt  }
0x80: {  	_ =	shalt  }
0x81: {  	_ =	shalt  }
0x82: {  	_ =	shalt  }
0x83: {  	_ =	shalt  }
0x84: {  	_ =	shalt  }
0x85: {  	_ =	shalt  }
0x86: {  	_ =	shalt  }
0x87: {  	_ =	shalt  }
.Lfunc_end0:
.L_simem_size_0:
called_computation_lowered:
.L_overlay_start_0:
0x88: {  	s2 =	sld [smem:$0x3FD9]  }
0x89: {  	s3 =	sld [smem:$0x3FFE];
	_ =	sdelay $0x1  }
0x8a: {  	s1 =	srdreg.scid  }
0x8b: {  	s0 =	sand.u32 $0x1, s1  }
0x8c: {  	s16 =	sshll.u32 s0, $0xA;
	s2 =	sadd.s32 s3, s2  }
0x8d: {  	s2 =	sadd.s32 s2, s16  }
0x8e: {  	[smem:$0x3FBB] =	sst s2  }
0x8f: {  	_ = 	snop  }
0x90: {  	(tm) =	ssettm $0x1  }
0x91: {  	s17 =	sld [smem:$0x3FFB];
	_ =	sdelay $0x3  }
0x92: {  	_ =	strace s17  }
0x93: {  	s2 =	sld [smem:$0x3FFC];
	_ =	sdelay $0x3  }
0x94: {  	_ =	strace s2  }
0x95: {  	s2 =	sld [smem:$0x3FFD];
	_ =	sdelay $0x3  }
0x96: {  	_ =	strace s2  }
0x97: {  	_ =	strace $0x8FFFFFFF  }
0x98: {  	s18 =	sld [smem:$0x3FDB];
	_ =	sdelay $0x1  }
0x99: {  	s19 =	simm.s32 $_scs_section_size  }
0x9a: {  	s4 =	simm.s32 $_size__tile_overlayer_lowered;
	s5 =	simm.s32 $_tile_overlayer_lowered  }
0x9b: {  	s22 =	simm.s32 $0x1BFF;
	s21 =	sshll.u32 s5, $0x1;
	s2 =	sadd.s32 s19, s18  }
0x9c: {  	s6 =	simm.s32 $0x0;
	s20 =	sshll.u32 s4, $0x1;
	s4 =	sadd.s32 s21, s2  }
0x9d: {  	[timem:s6], [sflag:s22] =	dma.local [hbm:s4], s20  }
0x9e: {  	_ =	swait.ge [sflag:s22], s20  }
0x9f: {  	s3 =	ssub.s32 $0x0, s20;
	[sflag:s22] =	ssyncset.done $0x0  }
0xa0: {  	[sflag:s22] =	ssyncadd.s32 s3;
	_ =	sdelay $0x1  }
0xa1: {  	s23 =	simm.s32 $0x1B8B  }
0xa2: {  	_ =	swait.ge [sflag:s23], $0x1  }
0xa3: {  	[sflag:s23] =	ssyncset.done $0x0  }
0xa4: {  	s25 =	simm.s32 $0x1B8E;
	s24 =	sld [smem:$0x3FFE];
	[sflag:s23] =	ssyncadd.s32 $0xFFFFFFFF  }
0xa5: {  	s26 =	simm.s32 $execute0_lowered;
	[smem:$0x3FD2] =	sst s25  }
0xa6: {  	s4 =	sshll.u32 s26, $0x1;
	_ =	strace $0x80000046;
	[dreg:$0x1] =	wrdreg $0xFFFFFFFF  }
0xa7: {  	s28 =	simm.s32 $_size_execute0_lowered;
	s2 =	sadd.s32 s2, s4;
	[dreg:$0x0] =	wrdreg $0x0  }
0xa8: {  	s4 =	sshll.u32 s28, $0x1;
	[dreg:$0x2] =	wrdreg s2  }
0xa9: {  	[dreg:$0x3] =	wrdreg s4  }
0xaa: {  	[dreg:$0x4] =	wrdreg $0xC0  }
0xab: {  	_ =	task [dreg:s6], $0x5FFFF  }
0xac: {  	[dreg:$0x1] =	wrdreg $0xFFFFFFFF  }
0xad: {  	[dreg:$0x0] =	wrdreg $0x60  }
0xae: {  	[dreg:$0x2] =	wrdreg s24  }
0xaf: {  	[dreg:$0x3] =	wrdreg $0xBC000  }
0xb0: {  	[dreg:$0x4] =	wrdreg $0x9  }
0xb1: {  	_ =	task.clear_ibuf [dreg:s6], $0x5FFFF;
	_ =	strace $0x90000046  }
0xb2: {  	s29 =	simm.s32 $0x9;
	_ =	strace $0x80000048  }
0xb3: {  	_ =	swait.ge [sflag:s29], $0x1  }
0xb4: {  	[sflag:s29] =	ssyncadd.s32 $0xFFFFFFFF  }
0xb5: {  	_ =	strace $0x90000048  }
0xb6: {  	_ =	sfence  }
0xb7: {  	s30 =	sld [smem:$0x0];
	_ =	sdelay $0x2  }
0xb8: {  	s31 =	sshll.u32 s1, $0xD;
	s1 =	sshrl.u32 s1, $0x2  }
0xb9: {  	s3 =	sand.u32 $0x4000, s31;
	s1 =	sadd.s32 s1, s30  }
0xba: {  	s0 =	sor.u32 s3, s0;
	s1 =	sshll.u32 s1, $0x11  }
0xbb: {  	s0 =	sor.u32 s1, s0  }
0xbc: {  	s0 =	sadd.s32 $0x8F2B, s0  }
0xbd: {  	[sflag:s0] =	ssyncadd.remote.s32 $0x1  }
0xbe: {  	_ =	sfence.sel $0xFFFF  }
0xbf: {  	[dreg:$0x0] =	wrdreg $0xFFFFFFFF;
	(pc) =	sbr.abs _section_cstart, $3  }
0xc0: {  	[dreg:$0x1] =	wrdreg $0xFFFFFFFF  }
0xc1: {  	_ =	task.clear_ibuf [dreg:s6], $0x2FFFF;
	_ =	strace $0x9FFFFFFF  }
0xc2: {  	(tm) =	ssettm $0x7FFFFFFF  }
0xc3: {  	_ =	shalt  }
tec
execute0_lowered:
.L_overlay_start_1:
0x0: {  	(tag) =	ssettag $0x1  }
0x1: {  	s0 =	srdreg.scid;
	s6 =	rddreg [dreg:$0x0]  }
0x2: {  	s2 =	rddreg [dreg:$0x1];
	s3 =	simm.s32 $0x0;
	s14 =	simm.s32 $0x1  }
0x3: {  	s15 =	simm.s32 $0x2;
	s16 =	simm.s32 $0x3;
	s17 =	simm.s32 $0x7D  }
0x4: {  	s18 =	simm.s32 $0x3C00;
	s19 =	simm.s32 $0x7C00;
	s20 =	simm.s32 $0x1380  }
0x5: {  	s21 =	simm.s32 $0x2700;
	s22 =	simm.s32 $0x2780;
	s23 =	simm.s32 $0x3B00  }
0x6: {  	s24 =	simm.s32 $0x3B80;
	s5 =	sand.u32 $0x1, s0;
	s0 =	stileid.u32  }
0x7: {  	s26 =	simm.s32 $0x0;
	[smem:$0x7FF] =	sst s3;
	s8 =	smul.u32 $0x13C000, s5  }
0x8: {  	s4 =	sadd.s32 $0x16000, s6;
	s1 =	sshll.u32 s5, $0x4;
	s9 =	smul.u32 $0x13C00, s0  }
0x9: {  	_ =	strace $0x80000047;
	s29 =	ssub.s32 $0x2, s5;
	s10 =	smul.u32 $0x4F000, s0  }
0xa: {  	s5 =	sadd.s32 $0x3D200, s6;
	s25 =	sshll.u32 s0, $0x6;
	s1 =	sor.u32 s0, s1  }
0xb: {  	s30 =	sshrl.u32 s29, $0x1;
	s7 =	smul.u32 $0x500, s1;
	s31 =	sshrl.u32 s10, $0x2  }
0xc: {  	s28 =	sadd.s32 s9, s8;
	s9 =	ssub.s32 s29, s30;
	s13 =	sadd.s32 s31, s2  }
0xd: {  	s9 =	smax.u32 s9, $0x1;
	s11 =	sadd.s32 s7, s6;
	s7 =	sshrl.u32 s28, $0x3  }
0xe: {  	s13 =	sshrl.u32 s13, $0x3;
	s12 =	sadd.s32 s7, s6;
	s6 =	sadd.s32 $0xC000, s11  }
0xf: {  	s7 =	sor.u32 $0x1C02, s25;
	s10 =	sadd.s32 $0x2000, s11;
	s11 =	sadd.s32 $0x2280, s11  }
0x10: {  	s25 =	sor.u32 $0x1C03, s25;
	s8 =	sadd.s32 $0x3FA00, s12;
	s12 =	simm.s32 $0x1400  }
.LBB2_1:
0x11: {  	[tilespmem:s12], [sflag:$0x1] =	stream.linear.gather [hbm4b:s6+s3], $0x2800, $0x38;
	[tilespmem:$0x1F800] =	vst v63  }
0x12: {  	[spmem:s13], [sflag:s7] =	dma.local [hbm:s5], $0x2780  }
0x13: {  	_ =	swait.ge [sflag:s14], $0x2800  }
0x14: {  	[sflag:s14] =	ssyncset.done $0x0  }
0x15: {  	[sflag:s14] =	ssyncadd.s32 $0xFFFFD800  }
0x16: {  	_ =	swait.ge [sflag:s15], $0x2780  }
0x17: {  	[sflag:s15] =	ssyncset.done $0x0  }
0x18: {  	[sflag:s15] =	ssyncadd.s32 $0xFFFFD880  }
0x19: {  	[bflag:$0x0] =	sbarrier.arrive $0xFFFF  }
0x1a: {  	[tilespmem:s3], [sflag:$0x3] =	stream.linear.gather [hbm4b:s10+s3], $0x1400, $0x38;
	[tilespmem:$0x1F800] =	vst v63  }
0x1b: {  	_ =	swait.ge [sflag:s16], $0x1400  }
0x1c: {  	[sflag:s16] =	ssyncset.done $0x0  }
0x1d: {  	[sflag:s16] =	ssyncadd.s32 $0xFFFFEC00  }
0x1e: {  	[tilespmem:s18], [sflag:$0x1] =	stream.indirect.gather [hbm4b:s4+s17], $0x80, s3, s17, $0xb8;
	[tilespmem:$0x1F800] =	vst v63  }
0x1f: {  	s28 =	simm.s32 $0x80  }
0x20: {  	[tilespmem:s19], [sflag:$0x2] =	stream.indirect.gather [hbm4b:s4+s17], $0x80, s28, s17, $0xb8;
	[tilespmem:$0x1F800] =	vst v63  }
0x21: {  	_ =	swait.ge [sflag:s14], $0x3E80  }
0x22: {  	[sflag:s14] =	ssyncset.done $0x0  }
0x23: {  	s28 =	simm.s32 $0x1400;
	[sflag:s14] =	ssyncadd.s32 $0xFFFFC180  }
0x24: {  	[spmem:s2] =	stream.indirect.scatter.add.f32 [tilespmem:s18], [sflag:$0x3], $0x80, s28, s17, $0xb8;
	[tilespmem:$0x1F800] =	vst v63  }
0x25: {  	_ =	swait.ge [sflag:s16], $0x3E80  }
0x26: {  	[sflag:s16] =	ssyncset.done $0x0  }
0x27: {  	s28 =	simm.s32 $0x100;
	[sflag:s16] =	ssyncadd.s32 $0xFFFFC180  }
0x28: {  	[tilespmem:s18], [sflag:$0x1] =	stream.indirect.gather [hbm4b:s4+s17], $0x80, s28, s17, $0xb8;
	[tilespmem:$0x1F800] =	vst v63  }
0x29: {  	_ =	swait.ge [sflag:s15], $0x3E80  }
0x2a: {  	[sflag:s15] =	ssyncset.done $0x0  }
0x2b: {  	s28 =	simm.s32 $0x1480;
	[sflag:s15] =	ssyncadd.s32 $0xFFFFC180  }
0x2c: {  	[spmem:s2] =	stream.indirect.scatter.add.f32 [tilespmem:s19], [sflag:$0x3], $0x80, s28, s17, $0xb8;
	[tilespmem:$0x1F800] =	vst v63  }
0x2d: {  	_ =	swait.ge [sflag:s16], $0x3E80  }
0x2e: {  	s29 =	simm.s32 $0x800;
	s28 =	simm.s32 $0x100;
	[sflag:s16] =	ssyncset.done $0x0  }
.LBB2_2:
0x2f: {  	s30 =	sadd.s32 $0x80, s28  }
0x30: {  	[sflag:s16] =	ssyncadd.s32 $0xFFFFC180;
	s31 =	smov.u32 s29;
	s1 =	sadd.s32 $0x400, s29  }
0x31: {  	[tilespmem:s19], [sflag:$0x2] =	stream.indirect.gather [hbm4b:s4+s17], $0x80, s30, s17, $0xb8;
	[tilespmem:$0x1F800] =	vst v63  }
0x32: {  	p0 =	sne.s32 s29, $0x4800;
	_ =	swait.ge [sflag:s14], $0x3E80  }
0x33: {  	[sflag:s14] =	ssyncset.done $0x0  }
0x34: {  	s29 =	sadd.s32 $0x1400, s28;
	[sflag:s14] =	ssyncadd.s32 $0xFFFFC180  }
0x35: {  	[spmem:s2] =	stream.indirect.scatter.add.f32 [tilespmem:s18], [sflag:$0x3], $0x80, s29, s17, $0xb8;
	[tilespmem:$0x1F800] =	vst v63  }
0x36: {  	_ =	swait.ge [sflag:s16], $0x3E80  }
0x37: {  	[sflag:s16] =	ssyncset.done $0x0  }
0x38: {  	s29 =	sadd.s32 $0x100, s28;
	[sflag:s16] =	ssyncadd.s32 $0xFFFFC180  }
0x39: {  	[tilespmem:s18], [sflag:$0x1] =	stream.indirect.gather [hbm4b:s4+s17], $0x80, s29, s17, $0xb8;
	[tilespmem:$0x1F800] =	vst v63  }
0x3a: {  	_ =	swait.ge [sflag:s15], $0x3E80  }
.Ltmp0:
0x3b: {  	[sflag:s15] =	ssyncset.done $0x0;
	(pc) =	sbr.rel @p0 .LBB2_2-.Ltmp0, $4  }
0x3c: {  	s28 =	sadd.s32 $0x1480, s28;
	[sflag:s15] =	ssyncadd.s32 $0xFFFFC180  }
0x3d: {  	[spmem:s2] =	stream.indirect.scatter.add.f32 [tilespmem:s19], [sflag:$0x3], $0x80, s28, s17, $0xb8;
	[tilespmem:$0x1F800] =	vst v63  }
0x3e: {  	_ =	swait.ge [sflag:s16], $0x3E80  }
0x3f: {  	s29 =	smov.u32 s1;
	s28 =	sshra.s32 s31, $0x2;
	[sflag:s16] =	ssyncset.done $0x0  }
0x40: {  	s1 =	sadd.s32 $0x80, s28;
	[sflag:s16] =	ssyncadd.s32 $0xFFFFC180  }
0x41: {  	[tilespmem:s19], [sflag:$0x2] =	stream.indirect.gather [hbm4b:s4+s17], $0x80, s1, s17, $0xb8;
	[tilespmem:$0x1F800] =	vst v63  }
0x42: {  	_ =	swait.ge [sflag:s14], $0x3E80  }
0x43: {  	[sflag:s14] =	ssyncset.done $0x0  }
0x44: {  	s31 =	sadd.s32 $0x1400, s28;
	[sflag:s14] =	ssyncadd.s32 $0xFFFFC180  }
0x45: {  	[spmem:s2] =	stream.indirect.scatter.add.f32 [tilespmem:s18], [sflag:$0x3], $0x80, s31, s17, $0xb8;
	[tilespmem:$0x1F800] =	vst v63  }
0x46: {  	_ =	swait.ge [sflag:s16], $0x3E80  }
0x47: {  	[sflag:s16] =	ssyncset.done $0x0  }
0x48: {  	s30 =	sadd.s32 $0x100, s28;
	[sflag:s16] =	ssyncadd.s32 $0xFFFFC180  }
0x49: {  	[tilespmem:s18], [sflag:$0x1] =	stream.indirect.gather [hbm4b:s4+s17], $0x80, s30, s17, $0xb8;
	[tilespmem:$0x1F800] =	vst v63  }
0x4a: {  	_ =	swait.ge [sflag:s15], $0x3E80  }
0x4b: {  	[sflag:s15] =	ssyncset.done $0x0  }
0x4c: {  	s31 =	sadd.s32 $0x1480, s28;
	[sflag:s15] =	ssyncadd.s32 $0xFFFFC180  }
0x4d: {  	[spmem:s2] =	stream.indirect.scatter.add.f32 [tilespmem:s19], [sflag:$0x3], $0x80, s31, s17, $0xb8;
	[tilespmem:$0x1F800] =	vst v63  }
0x4e: {  	_ =	swait.ge [sflag:s16], $0x3E80  }
0x4f: {  	[sflag:s16] =	ssyncset.done $0x0  }
0x50: {  	[sflag:s16] =	ssyncadd.s32 $0xFFFFC180  }
0x51: {  	[tilespmem:s19], [sflag:$0x2] =	stream.indirect.gather [hbm4b:s4+s17], $0x80, s20, s17, $0xb8;
	[tilespmem:$0x1F800] =	vst v63  }
0x52: {  	_ =	swait.ge [sflag:s14], $0x3E80  }
0x53: {  	[sflag:s14] =	ssyncset.done $0x0  }
0x54: {  	[sflag:s14] =	ssyncadd.s32 $0xFFFFC180  }
0x55: {  	[spmem:s2] =	stream.indirect.scatter.add.f32 [tilespmem:s18], [sflag:$0x3], $0x80, s21, s17, $0xb8;
	[tilespmem:$0x1F800] =	vst v63  }
0x56: {  	_ =	swait.ge [sflag:s16], $0x3E80  }
0x57: {  	[sflag:s16] =	ssyncset.done $0x0  }
0x58: {  	[sflag:s16] =	ssyncadd.s32 $0xFFFFC180  }
0x59: {  	_ =	swait.ge [sflag:s15], $0x3E80  }
0x5a: {  	[sflag:s15] =	ssyncset.done $0x0  }
0x5b: {  	[sflag:s15] =	ssyncadd.s32 $0xFFFFC180  }
0x5c: {  	[spmem:s2] =	stream.indirect.scatter.add.f32 [tilespmem:s19], [sflag:$0x3], $0x80, s22, s17, $0xb8;
	[tilespmem:$0x1F800] =	vst v63  }
0x5d: {  	_ =	swait.ge [sflag:s16], $0x3E80  }
0x5e: {  	[sflag:s16] =	ssyncset.done $0x0  }
0x5f: {  	[sflag:s16] =	ssyncadd.s32 $0xFFFFC180  }
0x60: {  	[tilespmem:s3], [sflag:$0x3] =	stream.linear.gather [hbm4b:s11+s3], $0x1400, $0x38;
	[tilespmem:$0x1F800] =	vst v63  }
0x61: {  	_ =	swait.ge [sflag:s16], $0x1400  }
0x62: {  	[sflag:s16] =	ssyncset.done $0x0  }
0x63: {  	[sflag:s16] =	ssyncadd.s32 $0xFFFFEC00  }
0x64: {  	[tilespmem:s18], [sflag:$0x1] =	stream.indirect.gather [hbm4b:s4+s17], $0x80, s3, s17, $0xb8;
	[tilespmem:$0x1F800] =	vst v63  }
0x65: {  	s30 =	simm.s32 $0x80  }
0x66: {  	[tilespmem:s19], [sflag:$0x2] =	stream.indirect.gather [hbm4b:s4+s17], $0x80, s30, s17, $0xb8;
	[tilespmem:$0x1F800] =	vst v63  }
0x67: {  	_ =	swait.ge [sflag:s14], $0x3E80  }
0x68: {  	[sflag:s14] =	ssyncset.done $0x0  }
0x69: {  	s31 =	simm.s32 $0x2800;
	[sflag:s14] =	ssyncadd.s32 $0xFFFFC180  }
0x6a: {  	[spmem:s2] =	stream.indirect.scatter.add.f32 [tilespmem:s18], [sflag:$0x3], $0x80, s31, s17, $0xb8;
	[tilespmem:$0x1F800] =	vst v63  }
0x6b: {  	_ =	swait.ge [sflag:s16], $0x3E80  }
0x6c: {  	[sflag:s16] =	ssyncset.done $0x0  }
0x6d: {  	s30 =	simm.s32 $0x100;
	[sflag:s16] =	ssyncadd.s32 $0xFFFFC180  }
0x6e: {  	[tilespmem:s18], [sflag:$0x1] =	stream.indirect.gather [hbm4b:s4+s17], $0x80, s30, s17, $0xb8;
	[tilespmem:$0x1F800] =	vst v63  }
0x6f: {  	_ =	swait.ge [sflag:s15], $0x3E80  }
0x70: {  	[sflag:s15] =	ssyncset.done $0x0  }
0x71: {  	s31 =	simm.s32 $0x2880;
	[sflag:s15] =	ssyncadd.s32 $0xFFFFC180  }
0x72: {  	[spmem:s2] =	stream.indirect.scatter.add.f32 [tilespmem:s19], [sflag:$0x3], $0x80, s31, s17, $0xb8;
	[tilespmem:$0x1F800] =	vst v63  }
0x73: {  	_ =	swait.ge [sflag:s16], $0x3E80  }
0x74: {  	s29 =	simm.s32 $0xFFFFBC00;
	s28 =	simm.s32 $0xFFFFEE00;
	[sflag:s16] =	ssyncset.done $0x0  }
.LBB2_4:
0x75: {  	s1 =	sadd.s32 $0x1380, s28  }
0x76: {  	[sflag:s16] =	ssyncadd.s32 $0xFFFFC180;
	s30 =	smov.u32 s29;
	s31 =	sadd.s32 $0x400, s29  }
0x77: {  	[tilespmem:s19], [sflag:$0x2] =	stream.indirect.gather [hbm4b:s4+s17], $0x80, s1, s17, $0xb8;
	[tilespmem:$0x1F800] =	vst v63  }
0x78: {  	p0 =	sne.s32 s29, $0xFFFFFC00;
	_ =	swait.ge [sflag:s14], $0x3E80  }
0x79: {  	[sflag:s14] =	ssyncset.done $0x0  }
0x7a: {  	s1 =	sadd.s32 $0x3B00, s28;
	[sflag:s14] =	ssyncadd.s32 $0xFFFFC180  }
0x7b: {  	[spmem:s2] =	stream.indirect.scatter.add.f32 [tilespmem:s18], [sflag:$0x3], $0x80, s1, s17, $0xb8;
	[tilespmem:$0x1F800] =	vst v63  }
0x7c: {  	_ =	swait.ge [sflag:s16], $0x3E80  }
0x7d: {  	[sflag:s16] =	ssyncset.done $0x0  }
0x7e: {  	s1 =	sadd.s32 $0x1400, s28;
	[sflag:s16] =	ssyncadd.s32 $0xFFFFC180  }
0x7f: {  	[tilespmem:s18], [sflag:$0x1] =	stream.indirect.gather [hbm4b:s4+s17], $0x80, s1, s17, $0xb8;
	[tilespmem:$0x1F800] =	vst v63  }
0x80: {  	_ =	swait.ge [sflag:s15], $0x3E80  }
.Ltmp1:
0x81: {  	[sflag:s15] =	ssyncset.done $0x0;
	(pc) =	sbr.rel @p0 .LBB2_4-.Ltmp1, $4  }
0x82: {  	s1 =	sadd.s32 $0x3B80, s28;
	[sflag:s15] =	ssyncadd.s32 $0xFFFFC180  }
0x83: {  	[spmem:s2] =	stream.indirect.scatter.add.f32 [tilespmem:s19], [sflag:$0x3], $0x80, s1, s17, $0xb8;
	[tilespmem:$0x1F800] =	vst v63  }
0x84: {  	_ =	swait.ge [sflag:s16], $0x3E80  }
0x85: {  	s29 =	smov.u32 s31;
	s28 =	sshra.s32 s30, $0x2;
	[sflag:s16] =	ssyncset.done $0x0  }
0x86: {  	s1 =	sadd.s32 $0x1380, s28;
	[sflag:s16] =	ssyncadd.s32 $0xFFFFC180  }
0x87: {  	[tilespmem:s19], [sflag:$0x2] =	stream.indirect.gather [hbm4b:s4+s17], $0x80, s1, s17, $0xb8;
	[tilespmem:$0x1F800] =	vst v63  }
0x88: {  	_ =	swait.ge [sflag:s14], $0x3E80  }
0x89: {  	[sflag:s14] =	ssyncset.done $0x0  }
0x8a: {  	s29 =	sadd.s32 $0x3B00, s28;
	[sflag:s14] =	ssyncadd.s32 $0xFFFFC180  }
0x8b: {  	[spmem:s2] =	stream.indirect.scatter.add.f32 [tilespmem:s18], [sflag:$0x3], $0x80, s29, s17, $0xb8;
	[tilespmem:$0x1F800] =	vst v63  }
0x8c: {  	_ =	swait.ge [sflag:s16], $0x3E80  }
0x8d: {  	[sflag:s16] =	ssyncset.done $0x0  }
0x8e: {  	s30 =	sadd.s32 $0x1400, s28;
	[sflag:s16] =	ssyncadd.s32 $0xFFFFC180  }
0x8f: {  	[tilespmem:s18], [sflag:$0x1] =	stream.indirect.gather [hbm4b:s4+s17], $0x80, s30, s17, $0xb8;
	[tilespmem:$0x1F800] =	vst v63  }
0x90: {  	_ =	swait.ge [sflag:s15], $0x3E80  }
0x91: {  	[sflag:s15] =	ssyncset.done $0x0  }
0x92: {  	s31 =	sadd.s32 $0x3B80, s28;
	[sflag:s15] =	ssyncadd.s32 $0xFFFFC180  }
0x93: {  	[spmem:s2] =	stream.indirect.scatter.add.f32 [tilespmem:s19], [sflag:$0x3], $0x80, s31, s17, $0xb8;
	[tilespmem:$0x1F800] =	vst v63  }
0x94: {  	_ =	swait.ge [sflag:s16], $0x3E80  }
0x95: {  	[sflag:s16] =	ssyncset.done $0x0  }
0x96: {  	[sflag:s16] =	ssyncadd.s32 $0xFFFFC180  }
0x97: {  	[tilespmem:s19], [sflag:$0x2] =	stream.indirect.gather [hbm4b:s4+s17], $0x80, s20, s17, $0xb8;
	[tilespmem:$0x1F800] =	vst v63  }
0x98: {  	_ =	swait.ge [sflag:s14], $0x3E80  }
0x99: {  	[sflag:s14] =	ssyncset.done $0x0  }
0x9a: {  	[sflag:s14] =	ssyncadd.s32 $0xFFFFC180  }
0x9b: {  	[spmem:s2] =	stream.indirect.scatter.add.f32 [tilespmem:s18], [sflag:$0x3], $0x80, s23, s17, $0xb8;
	[tilespmem:$0x1F800] =	vst v63  }
0x9c: {  	_ =	swait.ge [sflag:s16], $0x3E80  }
0x9d: {  	[sflag:s16] =	ssyncset.done $0x0  }
0x9e: {  	[sflag:s16] =	ssyncadd.s32 $0xFFFFC180  }
0x9f: {  	_ =	swait.ge [sflag:s15], $0x3E80  }
0xa0: {  	[sflag:s15] =	ssyncset.done $0x0  }
0xa1: {  	[sflag:s15] =	ssyncadd.s32 $0xFFFFC180  }
0xa2: {  	[spmem:s2] =	stream.indirect.scatter.add.f32 [tilespmem:s19], [sflag:$0x3], $0x80, s24, s17, $0xb8;
	[tilespmem:$0x1F800] =	vst v63  }
0xa3: {  	_ =	swait.ge [sflag:s16], $0x3E80  }
0xa4: {  	s26 =	sadd.s32 $0x1, s26;
	[sflag:s16] =	ssyncset.done $0x0  }
0xa5: {  	p0 =	sne.s32 s26, s9;
	[sflag:s16] =	ssyncadd.s32 $0xFFFFC180  }
.Ltmp2:
0xa6: {  	[bflag:$0x0] =	sbarrier.arrive $0xFFFF;
	(pc) =	sbr.rel @p0 .LBB2_1-.Ltmp2, $4  }
0xa7: {  	[hbm:s8], [sflag:s25] =	dma.local [spmem:s13], $0x2780  }
0xa8: {  	_ =	swait.ge [sflag:s16], $0x2780  }
0xa9: {  	[sflag:s16] =	ssyncset.done $0x0  }
0xaa: {  	[sflag:s16] =	ssyncadd.s32 $0xFFFFD880  }
0xab: {  	_ =	sfence.sel $0x180000  }
0xac: {  	[bflag:$0x0] =	sbarrier.arrive $0xFFFF  }
0xad: {  	_ =	strace $0x90000047  }
0xae: {  	[bflag:$0x2] =	sbarrier.arrive $0xFFFF  }
0xaf: {  	p0 =	sne.s32 s0, $0x0;
	s0 =	rddreg [dreg:$0x2]  }
0xb0: {  	s0 =	sadd.s32 @!p0 $0x100000, s0  }
0xb1: {  	[sflag:s0] =	ssyncadd.tile.s32 @!p0 $0x1;
	_ =	shalt  }
.Lfunc_end2:
_tile_overlayer_lowered:
.L_overlay_start_2:
0xb2: {  	(tag) =	ssettag $0x2  }
0xb3: {  	s0 =	rddreg [dreg:$0x0];
	s2 =	stileid.u32  }
0xb4: {  	s1 =	rddreg [dreg:$0x1];
	p0 =	sne.s32 s2, $0x0  }
0xb5: {  	s3 =	rddreg [dreg:$0x2];
	[bflag:$0x3] =	sbarrier.arrive $0xFFFF;
	s2 =	simm.s32 @!p0 $0x1C03  }
0xb6: {  	[timem:s3], [sflag:s2] =	dma.local @!p0 [hbm:s0], s1  }
0xb7: {  	s0 =	simm.s32 @!p0 $0x3  }
0xb8: {  	_ =	swait.ge @!p0 [sflag:s0], s1  }
0xb9: {  	s1 =	ssub.s32 @!p0 $0x0, s1;
	[sflag:s0] =	ssyncset.done @!p0 $0x0  }
0xba: {  	[sflag:s0] =	ssyncadd.s32 @!p0 s1  }
0xbb: {  	[bflag:$0x3] =	sbarrier.arrive $0xFFFF  }
0xbc: {  	_ =	shalt  }

</sc_bundles>
